<compile_context>
chip_gen: v7x
topology: tpu7x:2x2x1
jax: 0.10.2.dev20260603
libtpu: 0.0.44.dev20260713+nightly
codegen_flags: <defaults>
</compile_context>

<pallas_src>
import functools

import jax
import jax.numpy as jnp
from jax import lax
from jax.experimental import pallas as pl
from jax.experimental.pallas import tpu as pltpu
from jax.experimental.pallas import tpu_sc as plsc

L = 16
IDX_ROW = 256


def _sc_embed_kernel(B, P, S, V, n_chunks, rows_per_tile,
                     table_hbm, pos_hbm, idx_hbm, out_hbm,
                     table_v, pos_v, idx_v, stage_v, sem_out, sem_idx):
  info = plsc.get_sparse_core_info()
  nc = info.num_cores
  wid = lax.axis_index("s") * nc + lax.axis_index("c")
  b0 = wid * rows_per_tile

  tail = P - (n_chunks - 1) * L
  lane = lax.iota(jnp.int32, L)
  tail_idx = lane + (n_chunks - 1) * L
  tail_mask = lane < tail

  pltpu.sync_copy(table_hbm, table_v)
  pltpu.sync_copy(pos_hbm, pos_v)
  pltpu.async_copy(idx_hbm.at[pl.ds(b0 * IDX_ROW, IDX_ROW)], idx_v.at[0],
                   sem_idx)

  def b_body(b, _):
    ibuf = lax.rem(b, 2)
    pltpu.make_async_copy(idx_hbm.at[pl.ds((b0 + b) * IDX_ROW, IDX_ROW)],
                          idx_v.at[ibuf], sem_idx).wait()

    @pl.when(b < rows_per_tile - 1)
    def _prefetch():
      pltpu.async_copy(idx_hbm.at[pl.ds((b0 + b + 1) * IDX_ROW, IDX_ROW)],
                       idx_v.at[1 - ibuf], sem_idx)

    idx_chunks = [idx_v[ibuf, pl.ds(c * L, L)] for c in range(n_chunks)]

    def sc_body(sc, _):
      sbuf = lax.rem(sc, 2)
      g = b * (S // L) + sc

      @pl.when(g >= 2)
      def _drain():
        pltpu.make_async_copy(stage_v.at[sbuf],
                              out_hbm.at[b0 + b, pl.ds(sc * L, L), :],
                              sem_out.at[sbuf]).wait()

      @plsc.parallel_loop(0, L, unroll=2)
      def si_body(si):
        s = sc * L + si
        tab_base = s * V
        pos_base = s * P
        for c in range(n_chunks - 1):
          gathered = plsc.load_gather(table_v, [idx_chunks[c] + tab_base])
          pv = pos_v[pl.ds(pos_base + c * L, L)]
          stage_v[sbuf, si, pl.ds(c * L, L)] = gathered + pv
        gathered = plsc.load_gather(table_v,
                                    [idx_chunks[n_chunks - 1] + tab_base])
        pv = pos_v[pl.ds(pos_base + (n_chunks - 1) * L, L)]
        plsc.store_scatter(stage_v,
                           [jnp.full((L,), sbuf, jnp.int32),
                            jnp.full((L,), si, jnp.int32), tail_idx],
                           gathered + pv, mask=tail_mask)
      pltpu.async_copy(stage_v.at[sbuf],
                       out_hbm.at[b0 + b, pl.ds(sc * L, L), :],
                       sem_out.at[sbuf])
      return 0

    lax.fori_loop(0, S // L, sc_body, 0)
    return 0

  lax.fori_loop(0, rows_per_tile, b_body, 0)

  for sbuf in range(2):
    pltpu.make_async_copy(stage_v.at[sbuf],
                          out_hbm.at[b0, pl.ds(0, L), :],
                          sem_out.at[sbuf]).wait()


@functools.partial(jax.jit, static_argnums=(3, 4, 5, 6))
def _embed_pos_sc(table_t_flat, pos_t_flat, x_flat, B, P, S, V):
  n_chunks = (P + L - 1) // L
  n_tiles = 32
  rows_per_tile = B // n_tiles

  mesh = plsc.VectorSubcoreMesh(core_axis_name="c", subcore_axis_name="s")
  body = functools.partial(_sc_embed_kernel, B, P, S, V, n_chunks,
                           rows_per_tile)
  run = pl.kernel(
      body,
      out_type=jax.ShapeDtypeStruct((B, S, P), jnp.float32),
      mesh=mesh,
      compiler_params=pltpu.CompilerParams(needs_layout_passes=False),
      scratch_types=[
          pltpu.VMEM((S * V,), jnp.float32),
          pltpu.VMEM((pos_t_flat.shape[0],), jnp.float32),
          pltpu.VMEM((2, IDX_ROW), jnp.int32),
          pltpu.VMEM((2, L, P), jnp.float32),
          pltpu.SemaphoreType.DMA((2,)),
          pltpu.SemaphoreType.DMA,
      ],
  )
  return run(table_t_flat, pos_t_flat, x_flat)


def kernel(x, x_embed_weight, pos_embed):
  B, P = x.shape
  V, S = x_embed_weight.shape
  table_t_flat = x_embed_weight.T.reshape(-1)
  pos_t_flat = pos_embed.T.reshape(-1)
  pad = (-pos_t_flat.shape[0]) % 128
  pos_t_flat = jnp.pad(pos_t_flat, (0, pad))
  x_flat = jnp.pad(x, ((0, 0), (0, IDX_ROW - P))).reshape(-1)
  return _embed_pos_sc(table_t_flat, pos_t_flat, x_flat, B, P, S, V)

# --- scband reference (transcript-rebuilt; emitter-appended) ---
"""Pipeline reference for scband-embed-with-positional-bias-9105330667674 (READ-ONLY COPY).

The authoritative reference and input builder live on the scoring server;
editing this copy changes nothing except your own understanding.
"""

import jax, jax.numpy as jnp
import numpy as np

N_EMBED_VALS = 16 * 16
N_PIXELS = 14 * 14
N_STATES = 256
BATCH = 4096

def setup_inputs(seed: int = 0) -> dict:
    key = jax.random.key(seed)
    k1, k2, k3 = jax.random.split(key, 3)
    x = jax.random.randint(k1, (BATCH, N_PIXELS), 0, N_EMBED_VALS, dtype=jnp.int64 if jax.config.jax_enable_x64 else jnp.int32)
    x = x.astype(jnp.int32)
    x_embed_weight = jax.random.normal(k2, (N_EMBED_VALS, N_STATES), dtype=jnp.float32) * 0.02
    pos_embed = jax.random.normal(k3, (N_PIXELS, N_STATES), dtype=jnp.float32) * 0.01
    return {"x": x, "x_embed_weight": x_embed_weight, "pos_embed": pos_embed}

def reference(x, x_embed_weight, pos_embed):
    # embedding lookup: gather rows of x_embed_weight
    embedded = jnp.take(x_embed_weight, x, axis=0)  # [B, n_pixels, n_states]
    embedded = embedded + pos_embed  # broadcast over batch
    return jnp.transpose(embedded, (0, 2, 1))  # [B, n_states, n_pixels]

if __name__ == "__main__":
    import jax
    _d = setup_inputs()
    print(jax.jit(kernel)(*tuple(_d.values())))

</pallas_src>

<mosaic_0001>
#map = affine_map<(d0, d1) -> (0)>
#map1 = affine_map<(d0, d1) -> (0, 0, 0)>
module attributes {stable_mosaic.version = 14 : i64} {
  func.func @_sc_embed_kernel(%arg0: i32, %arg1: i32, %arg2: memref<65536xf32, #tpu.memory_space<hbm>>, %arg3: memref<50176xf32, #tpu.memory_space<hbm>>, %arg4: memref<1048576xi32, #tpu.memory_space<hbm>>, %arg5: memref<4096x256x196xf32, #tpu.memory_space<hbm>>, %arg6: memref<65536xf32, #tpu.memory_space<vmem>>, %arg7: memref<50176xf32, #tpu.memory_space<vmem>>, %arg8: memref<2x256xi32, #tpu.memory_space<vmem>>, %arg9: memref<2x16x196xf32, #tpu.memory_space<vmem>>, %arg10: memref<2x!tpu.dma_semaphore, #tpu.memory_space<semaphore_mem>>, %arg11: memref<!tpu.dma_semaphore, #tpu.memory_space<semaphore_mem>>) attributes {dimension_semantics = [#tpu.dimension_semantics<core_parallel>, #tpu.dimension_semantics<subcore_parallel>], iteration_bounds = array<i64: 2, 16>, scalar_prefetch = 0 : i64, scratch_operands = 6 : i64, tpu.core_type = #tpu.core_type<sc_vector_subcore>, window_params = [{transform_indices = #map}, {transform_indices = #map}, {transform_indices = #map}, {transform_indices = #map1}]} {
    %mul3A = arith.constant 2 : i32
    %mul3A_0 = arith.muli %arg1, %mul3A : i32
    %add3A = arith.addi %mul3A_0, %arg0 : i32
    %mul3A_1 = arith.constant 128 : i32
    %mul3A_2 = arith.muli %add3A, %mul3A_1 : i32
    %iota3A = tpu.iota {dimensions = array<i32: 0>} : vector<16xi32>
    %add3A_3 = arith.constant 192 : i32
    %add3A_4 = vector.broadcast %add3A_3 : i32 to vector<16xi32>
    %add3A_5 = arith.addi %iota3A, %add3A_4 : vector<16xi32>
    %lt3A = arith.constant 4 : i32
    %lt3A_6 = vector.broadcast %lt3A : i32 to vector<16xi32>
    %lt3A_7 = arith.cmpi slt, %iota3A, %lt3A_6 : vector<16xi32>
    "tpu.region"() ({
      %run_scoped3A = tpu.sem_alloc : memref<!tpu.dma_semaphore, #tpu.memory_space<semaphore_mem>>
      tpu.enqueue_dma source(%arg2 : memref<65536xf32, #tpu.memory_space<hbm>>) target(%arg6 : memref<65536xf32, #tpu.memory_space<vmem>>) target_semaphore(%run_scoped3A : memref<!tpu.dma_semaphore, #tpu.memory_space<semaphore_mem>>)
      tpu.wait_dma2 semaphore(%run_scoped3A : memref<!tpu.dma_semaphore, #tpu.memory_space<semaphore_mem>>) src(%arg2 : memref<65536xf32, #tpu.memory_space<hbm>>) dst(%arg6 : memref<65536xf32, #tpu.memory_space<vmem>>)
      tpu.yield
    }) : () -> ()
    "tpu.region"() ({
      %run_scoped3A = tpu.sem_alloc : memref<!tpu.dma_semaphore, #tpu.memory_space<semaphore_mem>>
      tpu.enqueue_dma source(%arg3 : memref<50176xf32, #tpu.memory_space<hbm>>) target(%arg7 : memref<50176xf32, #tpu.memory_space<vmem>>) target_semaphore(%run_scoped3A : memref<!tpu.dma_semaphore, #tpu.memory_space<semaphore_mem>>)
      tpu.wait_dma2 semaphore(%run_scoped3A : memref<!tpu.dma_semaphore, #tpu.memory_space<semaphore_mem>>) src(%arg3 : memref<50176xf32, #tpu.memory_space<hbm>>) dst(%arg7 : memref<50176xf32, #tpu.memory_space<vmem>>)
      tpu.yield
    }) : () -> ()
    %mul3A_8 = arith.constant 256 : i32
    %mul3A_9 = arith.muli %mul3A_2, %mul3A_8 : i32
    %dma_start3A = arith.constant 0 : i32
    %dma_start3A_10 = arith.constant 0 : i32
    %dma_start3A_11 = tpu.memref_slice %arg8[%dma_start3A, %dma_start3A_10] : memref<2x256xi32, #tpu.memory_space<vmem>> -> memref<1x256xi32, #tpu.memory_space<vmem>>
    %dma_start3A_12 = tpu.memref_squeeze %dma_start3A_11 : memref<1x256xi32, #tpu.memory_space<vmem>> -> memref<256xi32, #tpu.memory_space<vmem>>
    %dma_start3A_13 = tpu.memref_slice %arg4[%mul3A_9] : memref<1048576xi32, #tpu.memory_space<hbm>> -> memref<256xi32, #tpu.memory_space<hbm>>
    %dma_start3A_14 = arith.constant 0 : i32
    %dma_start3A_15 = tpu.memref_slice %arg8[%dma_start3A, %dma_start3A_14] : memref<2x256xi32, #tpu.memory_space<vmem>> -> memref<1x256xi32, #tpu.memory_space<vmem>>
    %dma_start3A_16 = tpu.memref_squeeze %dma_start3A_15 : memref<1x256xi32, #tpu.memory_space<vmem>> -> memref<256xi32, #tpu.memory_space<vmem>>
    %dma_start3A_17 = tpu.memref_slice %arg4[%mul3A_9] : memref<1048576xi32, #tpu.memory_space<hbm>> -> memref<256xi32, #tpu.memory_space<hbm>>
    tpu.enqueue_dma source(%dma_start3A_17 : memref<256xi32, #tpu.memory_space<hbm>>) target(%dma_start3A_16 : memref<256xi32, #tpu.memory_space<vmem>>) target_semaphore(%arg11 : memref<!tpu.dma_semaphore, #tpu.memory_space<semaphore_mem>>)
    %scan3A = arith.constant 0 : i32
    %scan3A_18 = arith.constant 0 : i32
    %scan3A_19 = arith.constant 128 : i32
    %scan3A_20 = arith.addi %scan3A_18, %scan3A_19 : i32
    %scan3A_21 = arith.constant 1 : i32
    %scan3A_22 = scf.for %scan3A_63 = %scan3A_18 to %scan3A_20 step %scan3A_21 iter_args(%scan3A_64 = %scan3A) -> (i32)  : i32 {
      %rem3A = arith.constant 2 : i32
      %rem3A_65 = arith.remsi %scan3A_63, %rem3A : i32
      %add3A_66 = arith.addi %mul3A_2, %scan3A_63 : i32
      %mul3A_67 = arith.constant 256 : i32
      %mul3A_68 = arith.muli %add3A_66, %mul3A_67 : i32
      %dma_wait3A_69 = arith.constant 0 : i32
      %dma_wait3A_70 = tpu.memref_slice %arg8[%rem3A_65, %dma_wait3A_69] : memref<2x256xi32, #tpu.memory_space<vmem>> -> memref<1x256xi32, #tpu.memory_space<vmem>>
      %dma_wait3A_71 = tpu.memref_squeeze %dma_wait3A_70 : memref<1x256xi32, #tpu.memory_space<vmem>> -> memref<256xi32, #tpu.memory_space<vmem>>
      %dma_wait3A_72 = tpu.memref_slice %arg4[%mul3A_68] : memref<1048576xi32, #tpu.memory_space<hbm>> -> memref<256xi32, #tpu.memory_space<hbm>>
      %dma_wait3A_73 = arith.constant 0 : i32
      %dma_wait3A_74 = tpu.memref_slice %arg8[%rem3A_65, %dma_wait3A_73] : memref<2x256xi32, #tpu.memory_space<vmem>> -> memref<1x256xi32, #tpu.memory_space<vmem>>
      %dma_wait3A_75 = tpu.memref_squeeze %dma_wait3A_74 : memref<1x256xi32, #tpu.memory_space<vmem>> -> memref<256xi32, #tpu.memory_space<vmem>>
      %dma_wait3A_76 = tpu.memref_slice %arg4[%mul3A_68] : memref<1048576xi32, #tpu.memory_space<hbm>> -> memref<256xi32, #tpu.memory_space<hbm>>
      tpu.wait_dma2 semaphore(%arg11 : memref<!tpu.dma_semaphore, #tpu.memory_space<semaphore_mem>>) src(%dma_wait3A_76 : memref<256xi32, #tpu.memory_space<hbm>>) dst(%dma_wait3A_75 : memref<256xi32, #tpu.memory_space<vmem>>)
      %lt3A_77 = arith.constant 127 : i32
      %lt3A_78 = arith.cmpi slt, %scan3A_63, %lt3A_77 : i32
      %convert_element_type3A = arith.extui %lt3A_78 : i1 to i32
      %cond3A = arith.constant 0 : i32
      %cond3A_79 = arith.cmpi ne, %convert_element_type3A, %cond3A : i32
      scf.if %cond3A_79 {
        %add3A_126 = arith.addi %mul3A_2, %scan3A_63 : i32
        %add3A_127 = arith.constant 1 : i32
        %add3A_128 = arith.addi %add3A_126, %add3A_127 : i32
        %mul3A_129 = arith.constant 256 : i32
        %mul3A_130 = arith.muli %add3A_128, %mul3A_129 : i32
        %sub3A = arith.constant 1 : i32
        %sub3A_131 = arith.subi %sub3A, %rem3A_65 : i32
        %dma_start3A_132 = arith.constant 0 : i32
        %dma_start3A_133 = tpu.memref_slice %arg8[%sub3A_131, %dma_start3A_132] : memref<2x256xi32, #tpu.memory_space<vmem>> -> memref<1x256xi32, #tpu.memory_space<vmem>>
        %dma_start3A_134 = tpu.memref_squeeze %dma_start3A_133 : memref<1x256xi32, #tpu.memory_space<vmem>> -> memref<256xi32, #tpu.memory_space<vmem>>
        %dma_start3A_135 = tpu.memref_slice %arg4[%mul3A_130] : memref<1048576xi32, #tpu.memory_space<hbm>> -> memref<256xi32, #tpu.memory_space<hbm>>
        %dma_start3A_136 = arith.constant 0 : i32
        %dma_start3A_137 = tpu.memref_slice %arg8[%sub3A_131, %dma_start3A_136] : memref<2x256xi32, #tpu.memory_space<vmem>> -> memref<1x256xi32, #tpu.memory_space<vmem>>
        %dma_start3A_138 = tpu.memref_squeeze %dma_start3A_137 : memref<1x256xi32, #tpu.memory_space<vmem>> -> memref<256xi32, #tpu.memory_space<vmem>>
        %dma_start3A_139 = tpu.memref_slice %arg4[%mul3A_130] : memref<1048576xi32, #tpu.memory_space<hbm>> -> memref<256xi32, #tpu.memory_space<hbm>>
        tpu.enqueue_dma source(%dma_start3A_139 : memref<256xi32, #tpu.memory_space<hbm>>) target(%dma_start3A_138 : memref<256xi32, #tpu.memory_space<vmem>>) target_semaphore(%arg11 : memref<!tpu.dma_semaphore, #tpu.memory_space<semaphore_mem>>)
      } else {
      }
      %get3A = arith.index_cast %rem3A_65 : i32 to index
      %get3A_80 = arith.constant 0 : index
      %get3A_81 = tpu.vector_load %arg8[%get3A, %get3A_80] {strides = array<i32>} : memref<2x256xi32, #tpu.memory_space<vmem>>, vector<16xi32>,
      %get3A_82 = arith.index_cast %rem3A_65 : i32 to index
      %get3A_83 = arith.constant 16 : index
      %get3A_84 = tpu.vector_load %arg8[%get3A_82, %get3A_83] {strides = array<i32>} : memref<2x256xi32, #tpu.memory_space<vmem>>, vector<16xi32>,
      %get3A_85 = arith.index_cast %rem3A_65 : i32 to index
      %get3A_86 = arith.constant 32 : index
      %get3A_87 = tpu.vector_load %arg8[%get3A_85, %get3A_86] {strides = array<i32>} : memref<2x256xi32, #tpu.memory_space<vmem>>, vector<16xi32>,
      %get3A_88 = arith.index_cast %rem3A_65 : i32 to index
      %get3A_89 = arith.constant 48 : index
      %get3A_90 = tpu.vector_load %arg8[%get3A_88, %get3A_89] {strides = array<i32>} : memref<2x256xi32, #tpu.memory_space<vmem>>, vector<16xi32>,
      %get3A_91 = arith.index_cast %rem3A_65 : i32 to index
      %get3A_92 = arith.constant 64 : index
      %get3A_93 = tpu.vector_load %arg8[%get3A_91, %get3A_92] {strides = array<i32>} : memref<2x256xi32, #tpu.memory_space<vmem>>, vector<16xi32>,
      %get3A_94 = arith.index_cast %rem3A_65 : i32 to index
      %get3A_95 = arith.constant 80 : index
      %get3A_96 = tpu.vector_load %arg8[%get3A_94, %get3A_95] {strides = array<i32>} : memref<2x256xi32, #tpu.memory_space<vmem>>, vector<16xi32>,
      %get3A_97 = arith.index_cast %rem3A_65 : i32 to index
      %get3A_98 = arith.constant 96 : index
      %get3A_99 = tpu.vector_load %arg8[%get3A_97, %get3A_98] {strides = array<i32>} : memref<2x256xi32, #tpu.memory_space<vmem>>, vector<16xi32>,
      %get3A_100 = arith.index_cast %rem3A_65 : i32 to index
      %get3A_101 = arith.constant 112 : index
      %get3A_102 = tpu.vector_load %arg8[%get3A_100, %get3A_101] {strides = array<i32>} : memref<2x256xi32, #tpu.memory_space<vmem>>, vector<16xi32>,
      %get3A_103 = arith.index_cast %rem3A_65 : i32 to index
      %get3A_104 = arith.constant 128 : index
      %get3A_105 = tpu.vector_load %arg8[%get3A_103, %get3A_104] {strides = array<i32>} : memref<2x256xi32, #tpu.memory_space<vmem>>, vector<16xi32>,
      %get3A_106 = arith.index_cast %rem3A_65 : i32 to index
      %get3A_107 = arith.constant 144 : index
      %get3A_108 = tpu.vector_load %arg8[%get3A_106, %get3A_107] {strides = array<i32>} : memref<2x256xi32, #tpu.memory_space<vmem>>, vector<16xi32>,
      %get3A_109 = arith.index_cast %rem3A_65 : i32 to index
      %get3A_110 = arith.constant 160 : index
      %get3A_111 = tpu.vector_load %arg8[%get3A_109, %get3A_110] {strides = array<i32>} : memref<2x256xi32, #tpu.memory_space<vmem>>, vector<16xi32>,
      %get3A_112 = arith.index_cast %rem3A_65 : i32 to index
      %get3A_113 = arith.constant 176 : index
      %get3A_114 = tpu.vector_load %arg8[%get3A_112, %get3A_113] {strides = array<i32>} : memref<2x256xi32, #tpu.memory_space<vmem>>, vector<16xi32>,
      %get3A_115 = arith.index_cast %rem3A_65 : i32 to index
      %get3A_116 = arith.constant 192 : index
      %get3A_117 = tpu.vector_load %arg8[%get3A_115, %get3A_116] {strides = array<i32>} : memref<2x256xi32, #tpu.memory_space<vmem>>, vector<16xi32>,
      %scan3A_118 = arith.constant 0 : i32
      %scan3A_119 = arith.constant 0 : i32
      %scan3A_120 = arith.constant 16 : i32
      %scan3A_121 = arith.addi %scan3A_119, %scan3A_120 : i32
      %scan3A_122 = arith.constant 1 : i32
      %scan3A_123 = scf.for %scan3A_126 = %scan3A_119 to %scan3A_121 step %scan3A_122 iter_args(%scan3A_127 = %scan3A_118) -> (i32)  : i32 {
        %rem3A_128 = arith.constant 2 : i32
        %rem3A_129 = arith.remsi %scan3A_126, %rem3A_128 : i32
        %mul3A_130 = arith.constant 16 : i32
        %mul3A_131 = arith.muli %scan3A_63, %mul3A_130 : i32
        %add3A_132 = arith.addi %mul3A_131, %scan3A_126 : i32
        %ge3A = arith.constant 2 : i32
        %ge3A_133 = arith.cmpi sge, %add3A_132, %ge3A : i32
        %convert_element_type3A_134 = arith.extui %ge3A_133 : i1 to i32
        %cond3A_135 = arith.constant 0 : i32
        %cond3A_136 = arith.cmpi ne, %convert_element_type3A_134, %cond3A_135 : i32
        scf.if %cond3A_136 {
          %add3A_159 = arith.addi %mul3A_2, %scan3A_63 : i32
          %mul3A_160 = arith.constant 16 : i32
          %mul3A_161 = arith.muli %scan3A_126, %mul3A_160 : i32
          %dma_wait3A_162 = arith.constant 0 : i32
          %dma_wait3A_163 = arith.constant 0 : i32
          %dma_wait3A_164 = tpu.memref_slice %arg9[%rem3A_129, %dma_wait3A_162, %dma_wait3A_163] : memref<2x16x196xf32, #tpu.memory_space<vmem>> -> memref<1x16x196xf32, #tpu.memory_space<vmem>>
          %dma_wait3A_165 = tpu.memref_squeeze %dma_wait3A_164 : memref<1x16x196xf32, #tpu.memory_space<vmem>> -> memref<16x196xf32, #tpu.memory_space<vmem>>
          %dma_wait3A_166 = arith.constant 0 : i32
          %dma_wait3A_167 = tpu.memref_slice %arg5[%add3A_159, %mul3A_161, %dma_wait3A_166] : memref<4096x256x196xf32, #tpu.memory_space<hbm>> -> memref<1x16x196xf32, #tpu.memory_space<hbm>>
          %dma_wait3A_168 = tpu.memref_squeeze %dma_wait3A_167 : memref<1x16x196xf32, #tpu.memory_space<hbm>> -> memref<16x196xf32, #tpu.memory_space<hbm>>
          %dma_wait3A_169 = tpu.memref_slice %arg10[%rem3A_129] : memref<2x!tpu.dma_semaphore, #tpu.memory_space<semaphore_mem>> -> memref<1x!tpu.dma_semaphore, #tpu.memory_space<semaphore_mem>>
          %dma_wait3A_170 = tpu.memref_squeeze %dma_wait3A_169 : memref<1x!tpu.dma_semaphore, #tpu.memory_space<semaphore_mem>> -> memref<!tpu.dma_semaphore, #tpu.memory_space<semaphore_mem>>
          %dma_wait3A_171 = arith.constant 0 : i32
          %dma_wait3A_172 = tpu.memref_slice %arg5[%add3A_159, %mul3A_161, %dma_wait3A_171] : memref<4096x256x196xf32, #tpu.memory_space<hbm>> -> memref<1x16x196xf32, #tpu.memory_space<hbm>>
          %dma_wait3A_173 = tpu.memref_squeeze %dma_wait3A_172 : memref<1x16x196xf32, #tpu.memory_space<hbm>> -> memref<16x196xf32, #tpu.memory_space<hbm>>
          %dma_wait3A_174 = arith.constant 0 : i32
          %dma_wait3A_175 = arith.constant 0 : i32
          %dma_wait3A_176 = tpu.memref_slice %arg9[%rem3A_129, %dma_wait3A_174, %dma_wait3A_175] : memref<2x16x196xf32, #tpu.memory_space<vmem>> -> memref<1x16x196xf32, #tpu.memory_space<vmem>>
          %dma_wait3A_177 = tpu.memref_squeeze %dma_wait3A_176 : memref<1x16x196xf32, #tpu.memory_space<vmem>> -> memref<16x196xf32, #tpu.memory_space<vmem>>
          tpu.wait_dma2 semaphore(%dma_wait3A_170 : memref<!tpu.dma_semaphore, #tpu.memory_space<semaphore_mem>>) src(%dma_wait3A_177 : memref<16x196xf32, #tpu.memory_space<vmem>>) dst(%dma_wait3A_173 : memref<16x196xf32, #tpu.memory_space<hbm>>)
        } else {
        }
        %parallel_loop3A = arith.constant 0 : i32
        %parallel_loop3A_137 = arith.constant 16 : i32
        %parallel_loop3A_138 = arith.constant 1 : i32
        scf.for %parallel_loop3A_159 = %parallel_loop3A to %parallel_loop3A_137 step %parallel_loop3A_138  : i32 {
          %parallel_loop3A_160 = arith.constant 16 : i32
          %parallel_loop3A_161 = arith.muli %scan3A_126, %parallel_loop3A_160 : i32
          %parallel_loop3A_162 = arith.addi %parallel_loop3A_161, %parallel_loop3A_159 : i32
          %parallel_loop3A_163 = arith.constant 256 : i32
          %parallel_loop3A_164 = arith.muli %parallel_loop3A_162, %parallel_loop3A_163 : i32
          %parallel_loop3A_165 = arith.constant 196 : i32
          %parallel_loop3A_166 = arith.muli %parallel_loop3A_162, %parallel_loop3A_165 : i32
          %parallel_loop3A_167 = vector.broadcast %parallel_loop3A_164 : i32 to vector<16xi32>
          %parallel_loop3A_168 = arith.addi %get3A_81, %parallel_loop3A_167 : vector<16xi32>
          %parallel_loop3A_169 = tpu.vector_load_idx %arg6[%parallel_loop3A_168] : memref<65536xf32, #tpu.memory_space<vmem>>[vector<16xi32>], vector<16xf32>,
          %parallel_loop3A_170 = arith.constant 0 : i32
          %parallel_loop3A_171 = arith.addi %parallel_loop3A_166, %parallel_loop3A_170 : i32
          %parallel_loop3A_172 = arith.index_cast %parallel_loop3A_171 : i32 to index
          %parallel_loop3A_173 = tpu.vector_load %arg7[%parallel_loop3A_172] {strides = array<i32>} : memref<50176xf32, #tpu.memory_space<vmem>>, vector<16xf32>,
          %parallel_loop3A_174 = arith.addf %parallel_loop3A_169, %parallel_loop3A_173 : vector<16xf32>
          %parallel_loop3A_175 = arith.index_cast %rem3A_129 : i32 to index
          %parallel_loop3A_176 = arith.index_cast %parallel_loop3A_159 : i32 to index
          %parallel_loop3A_177 = arith.constant 0 : index
          %parallel_loop3A_178 = tpu.vector_load %arg9[%parallel_loop3A_175, %parallel_loop3A_176, %parallel_loop3A_177] {strides = array<i32>} : memref<2x16x196xf32, #tpu.memory_space<vmem>>, vector<16xf32>,
          tpu.vector_store %arg9[%parallel_loop3A_175, %parallel_loop3A_176, %parallel_loop3A_177], %parallel_loop3A_174 {strides = array<i32>} : memref<2x16x196xf32, #tpu.memory_space<vmem>>, vector<16xf32>,
          %parallel_loop3A_179 = vector.broadcast %parallel_loop3A_164 : i32 to vector<16xi32>
          %parallel_loop3A_180 = arith.addi %get3A_84, %parallel_loop3A_179 : vector<16xi32>
          %parallel_loop3A_181 = tpu.vector_load_idx %arg6[%parallel_loop3A_180] : memref<65536xf32, #tpu.memory_space<vmem>>[vector<16xi32>], vector<16xf32>,
          %parallel_loop3A_182 = arith.constant 16 : i32
          %parallel_loop3A_183 = arith.addi %parallel_loop3A_166, %parallel_loop3A_182 : i32
          %parallel_loop3A_184 = arith.index_cast %parallel_loop3A_183 : i32 to index
          %parallel_loop3A_185 = tpu.vector_load %arg7[%parallel_loop3A_184] {strides = array<i32>} : memref<50176xf32, #tpu.memory_space<vmem>>, vector<16xf32>,
          %parallel_loop3A_186 = arith.addf %parallel_loop3A_181, %parallel_loop3A_185 : vector<16xf32>
          %parallel_loop3A_187 = arith.index_cast %rem3A_129 : i32 to index
          %parallel_loop3A_188 = arith.index_cast %parallel_loop3A_159 : i32 to index
          %parallel_loop3A_189 = arith.constant 16 : index
          %parallel_loop3A_190 = tpu.vector_load %arg9[%parallel_loop3A_187, %parallel_loop3A_188, %parallel_loop3A_189] {strides = array<i32>} : memref<2x16x196xf32, #tpu.memory_space<vmem>>, vector<16xf32>,
          tpu.vector_store %arg9[%parallel_loop3A_187, %parallel_loop3A_188, %parallel_loop3A_189], %parallel_loop3A_186 {strides = array<i32>} : memref<2x16x196xf32, #tpu.memory_space<vmem>>, vector<16xf32>,
          %parallel_loop3A_191 = vector.broadcast %parallel_loop3A_164 : i32 to vector<16xi32>
          %parallel_loop3A_192 = arith.addi %get3A_87, %parallel_loop3A_191 : vector<16xi32>
          %parallel_loop3A_193 = tpu.vector_load_idx %arg6[%parallel_loop3A_192] : memref<65536xf32, #tpu.memory_space<vmem>>[vector<16xi32>], vector<16xf32>,
          %parallel_loop3A_194 = arith.constant 32 : i32
          %parallel_loop3A_195 = arith.addi %parallel_loop3A_166, %parallel_loop3A_194 : i32
          %parallel_loop3A_196 = arith.index_cast %parallel_loop3A_195 : i32 to index
          %parallel_loop3A_197 = tpu.vector_load %arg7[%parallel_loop3A_196] {strides = array<i32>} : memref<50176xf32, #tpu.memory_space<vmem>>, vector<16xf32>,
          %parallel_loop3A_198 = arith.addf %parallel_loop3A_193, %parallel_loop3A_197 : vector<16xf32>
          %parallel_loop3A_199 = arith.index_cast %rem3A_129 : i32 to index
          %parallel_loop3A_200 = arith.index_cast %parallel_loop3A_159 : i32 to index
          %parallel_loop3A_201 = arith.constant 32 : index
          %parallel_loop3A_202 = tpu.vector_load %arg9[%parallel_loop3A_199, %parallel_loop3A_200, %parallel_loop3A_201] {strides = array<i32>} : memref<2x16x196xf32, #tpu.memory_space<vmem>>, vector<16xf32>,
          tpu.vector_store %arg9[%parallel_loop3A_199, %parallel_loop3A_200, %parallel_loop3A_201], %parallel_loop3A_198 {strides = array<i32>} : memref<2x16x196xf32, #tpu.memory_space<vmem>>, vector<16xf32>,
          %parallel_loop3A_203 = vector.broadcast %parallel_loop3A_164 : i32 to vector<16xi32>
          %parallel_loop3A_204 = arith.addi %get3A_90, %parallel_loop3A_203 : vector<16xi32>
          %parallel_loop3A_205 = tpu.vector_load_idx %arg6[%parallel_loop3A_204] : memref<65536xf32, #tpu.memory_space<vmem>>[vector<16xi32>], vector<16xf32>,
          %parallel_loop3A_206 = arith.constant 48 : i32
          %parallel_loop3A_207 = arith.addi %parallel_loop3A_166, %parallel_loop3A_206 : i32
          %parallel_loop3A_208 = arith.index_cast %parallel_loop3A_207 : i32 to index
          %parallel_loop3A_209 = tpu.vector_load %arg7[%parallel_loop3A_208] {strides = array<i32>} : memref<50176xf32, #tpu.memory_space<vmem>>, vector<16xf32>,
          %parallel_loop3A_210 = arith.addf %parallel_loop3A_205, %parallel_loop3A_209 : vector<16xf32>
          %parallel_loop3A_211 = arith.index_cast %rem3A_129 : i32 to index
          %parallel_loop3A_212 = arith.index_cast %parallel_loop3A_159 : i32 to index
          %parallel_loop3A_213 = arith.constant 48 : index
          %parallel_loop3A_214 = tpu.vector_load %arg9[%parallel_loop3A_211, %parallel_loop3A_212, %parallel_loop3A_213] {strides = array<i32>} : memref<2x16x196xf32, #tpu.memory_space<vmem>>, vector<16xf32>,
          tpu.vector_store %arg9[%parallel_loop3A_211, %parallel_loop3A_212, %parallel_loop3A_213], %parallel_loop3A_210 {strides = array<i32>} : memref<2x16x196xf32, #tpu.memory_space<vmem>>, vector<16xf32>,
          %parallel_loop3A_215 = vector.broadcast %parallel_loop3A_164 : i32 to vector<16xi32>
          %parallel_loop3A_216 = arith.addi %get3A_93, %parallel_loop3A_215 : vector<16xi32>
          %parallel_loop3A_217 = tpu.vector_load_idx %arg6[%parallel_loop3A_216] : memref<65536xf32, #tpu.memory_space<vmem>>[vector<16xi32>], vector<16xf32>,
          %parallel_loop3A_218 = arith.constant 64 : i32
          %parallel_loop3A_219 = arith.addi %parallel_loop3A_166, %parallel_loop3A_218 : i32
          %parallel_loop3A_220 = arith.index_cast %parallel_loop3A_219 : i32 to index
          %parallel_loop3A_221 = tpu.vector_load %arg7[%parallel_loop3A_220] {strides = array<i32>} : memref<50176xf32, #tpu.memory_space<vmem>>, vector<16xf32>,
          %parallel_loop3A_222 = arith.addf %parallel_loop3A_217, %parallel_loop3A_221 : vector<16xf32>
          %parallel_loop3A_223 = arith.index_cast %rem3A_129 : i32 to index
          %parallel_loop3A_224 = arith.index_cast %parallel_loop3A_159 : i32 to index
          %parallel_loop3A_225 = arith.constant 64 : index
          %parallel_loop3A_226 = tpu.vector_load %arg9[%parallel_loop3A_223, %parallel_loop3A_224, %parallel_loop3A_225] {strides = array<i32>} : memref<2x16x196xf32, #tpu.memory_space<vmem>>, vector<16xf32>,
          tpu.vector_store %arg9[%parallel_loop3A_223, %parallel_loop3A_224, %parallel_loop3A_225], %parallel_loop3A_222 {strides = array<i32>} : memref<2x16x196xf32, #tpu.memory_space<vmem>>, vector<16xf32>,
          %parallel_loop3A_227 = vector.broadcast %parallel_loop3A_164 : i32 to vector<16xi32>
          %parallel_loop3A_228 = arith.addi %get3A_96, %parallel_loop3A_227 : vector<16xi32>
          %parallel_loop3A_229 = tpu.vector_load_idx %arg6[%parallel_loop3A_228] : memref<65536xf32, #tpu.memory_space<vmem>>[vector<16xi32>], vector<16xf32>,
          %parallel_loop3A_230 = arith.constant 80 : i32
          %parallel_loop3A_231 = arith.addi %parallel_loop3A_166, %parallel_loop3A_230 : i32
          %parallel_loop3A_232 = arith.index_cast %parallel_loop3A_231 : i32 to index
          %parallel_loop3A_233 = tpu.vector_load %arg7[%parallel_loop3A_232] {strides = array<i32>} : memref<50176xf32, #tpu.memory_space<vmem>>, vector<16xf32>,
          %parallel_loop3A_234 = arith.addf %parallel_loop3A_229, %parallel_loop3A_233 : vector<16xf32>
          %parallel_loop3A_235 = arith.index_cast %rem3A_129 : i32 to index
          %parallel_loop3A_236 = arith.index_cast %parallel_loop3A_159 : i32 to index
          %parallel_loop3A_237 = arith.constant 80 : index
          %parallel_loop3A_238 = tpu.vector_load %arg9[%parallel_loop3A_235, %parallel_loop3A_236, %parallel_loop3A_237] {strides = array<i32>} : memref<2x16x196xf32, #tpu.memory_space<vmem>>, vector<16xf32>,
          tpu.vector_store %arg9[%parallel_loop3A_235, %parallel_loop3A_236, %parallel_loop3A_237], %parallel_loop3A_234 {strides = array<i32>} : memref<2x16x196xf32, #tpu.memory_space<vmem>>, vector<16xf32>,
          %parallel_loop3A_239 = vector.broadcast %parallel_loop3A_164 : i32 to vector<16xi32>
          %parallel_loop3A_240 = arith.addi %get3A_99, %parallel_loop3A_239 : vector<16xi32>
          %parallel_loop3A_241 = tpu.vector_load_idx %arg6[%parallel_loop3A_240] : memref<65536xf32, #tpu.memory_space<vmem>>[vector<16xi32>], vector<16xf32>,
          %parallel_loop3A_242 = arith.constant 96 : i32
          %parallel_loop3A_243 = arith.addi %parallel_loop3A_166, %parallel_loop3A_242 : i32
          %parallel_loop3A_244 = arith.index_cast %parallel_loop3A_243 : i32 to index
          %parallel_loop3A_245 = tpu.vector_load %arg7[%parallel_loop3A_244] {strides = array<i32>} : memref<50176xf32, #tpu.memory_space<vmem>>, vector<16xf32>,
          %parallel_loop3A_246 = arith.addf %parallel_loop3A_241, %parallel_loop3A_245 : vector<16xf32>
          %parallel_loop3A_247 = arith.index_cast %rem3A_129 : i32 to index
          %parallel_loop3A_248 = arith.index_cast %parallel_loop3A_159 : i32 to index
          %parallel_loop3A_249 = arith.constant 96 : index
          %parallel_loop3A_250 = tpu.vector_load %arg9[%parallel_loop3A_247, %parallel_loop3A_248, %parallel_loop3A_249] {strides = array<i32>} : memref<2x16x196xf32, #tpu.memory_space<vmem>>, vector<16xf32>,
          tpu.vector_store %arg9[%parallel_loop3A_247, %parallel_loop3A_248, %parallel_loop3A_249], %parallel_loop3A_246 {strides = array<i32>} : memref<2x16x196xf32, #tpu.memory_space<vmem>>, vector<16xf32>,
          %parallel_loop3A_251 = vector.broadcast %parallel_loop3A_164 : i32 to vector<16xi32>
          %parallel_loop3A_252 = arith.addi %get3A_102, %parallel_loop3A_251 : vector<16xi32>
          %parallel_loop3A_253 = tpu.vector_load_idx %arg6[%parallel_loop3A_252] : memref<65536xf32, #tpu.memory_space<vmem>>[vector<16xi32>], vector<16xf32>,
          %parallel_loop3A_254 = arith.constant 112 : i32
          %parallel_loop3A_255 = arith.addi %parallel_loop3A_166, %parallel_loop3A_254 : i32
          %parallel_loop3A_256 = arith.index_cast %parallel_loop3A_255 : i32 to index
          %parallel_loop3A_257 = tpu.vector_load %arg7[%parallel_loop3A_256] {strides = array<i32>} : memref<50176xf32, #tpu.memory_space<vmem>>, vector<16xf32>,
          %parallel_loop3A_258 = arith.addf %parallel_loop3A_253, %parallel_loop3A_257 : vector<16xf32>
          %parallel_loop3A_259 = arith.index_cast %rem3A_129 : i32 to index
          %parallel_loop3A_260 = arith.index_cast %parallel_loop3A_159 : i32 to index
          %parallel_loop3A_261 = arith.constant 112 : index
          %parallel_loop3A_262 = tpu.vector_load %arg9[%parallel_loop3A_259, %parallel_loop3A_260, %parallel_loop3A_261] {strides = array<i32>} : memref<2x16x196xf32, #tpu.memory_space<vmem>>, vector<16xf32>,
          tpu.vector_store %arg9[%parallel_loop3A_259, %parallel_loop3A_260, %parallel_loop3A_261], %parallel_loop3A_258 {strides = array<i32>} : memref<2x16x196xf32, #tpu.memory_space<vmem>>, vector<16xf32>,
          %parallel_loop3A_263 = vector.broadcast %parallel_loop3A_164 : i32 to vector<16xi32>
          %parallel_loop3A_264 = arith.addi %get3A_105, %parallel_loop3A_263 : vector<16xi32>
          %parallel_loop3A_265 = tpu.vector_load_idx %arg6[%parallel_loop3A_264] : memref<65536xf32, #tpu.memory_space<vmem>>[vector<16xi32>], vector<16xf32>,
          %parallel_loop3A_266 = arith.constant 128 : i32
          %parallel_loop3A_267 = arith.addi %parallel_loop3A_166, %parallel_loop3A_266 : i32
          %parallel_loop3A_268 = arith.index_cast %parallel_loop3A_267 : i32 to index
          %parallel_loop3A_269 = tpu.vector_load %arg7[%parallel_loop3A_268] {strides = array<i32>} : memref<50176xf32, #tpu.memory_space<vmem>>, vector<16xf32>,
          %parallel_loop3A_270 = arith.addf %parallel_loop3A_265, %parallel_loop3A_269 : vector<16xf32>
          %parallel_loop3A_271 = arith.index_cast %rem3A_129 : i32 to index
          %parallel_loop3A_272 = arith.index_cast %parallel_loop3A_159 : i32 to index
          %parallel_loop3A_273 = arith.constant 128 : index
          %parallel_loop3A_274 = tpu.vector_load %arg9[%parallel_loop3A_271, %parallel_loop3A_272, %parallel_loop3A_273] {strides = array<i32>} : memref<2x16x196xf32, #tpu.memory_space<vmem>>, vector<16xf32>,
          tpu.vector_store %arg9[%parallel_loop3A_271, %parallel_loop3A_272, %parallel_loop3A_273], %parallel_loop3A_270 {strides = array<i32>} : memref<2x16x196xf32, #tpu.memory_space<vmem>>, vector<16xf32>,
          %parallel_loop3A_275 = vector.broadcast %parallel_loop3A_164 : i32 to vector<16xi32>
          %parallel_loop3A_276 = arith.addi %get3A_108, %parallel_loop3A_275 : vector<16xi32>
          %parallel_loop3A_277 = tpu.vector_load_idx %arg6[%parallel_loop3A_276] : memref<65536xf32, #tpu.memory_space<vmem>>[vector<16xi32>], vector<16xf32>,
          %parallel_loop3A_278 = arith.constant 144 : i32
          %parallel_loop3A_279 = arith.addi %parallel_loop3A_166, %parallel_loop3A_278 : i32
          %parallel_loop3A_280 = arith.index_cast %parallel_loop3A_279 : i32 to index
          %parallel_loop3A_281 = tpu.vector_load %arg7[%parallel_loop3A_280] {strides = array<i32>} : memref<50176xf32, #tpu.memory_space<vmem>>, vector<16xf32>,
          %parallel_loop3A_282 = arith.addf %parallel_loop3A_277, %parallel_loop3A_281 : vector<16xf32>
          %parallel_loop3A_283 = arith.index_cast %rem3A_129 : i32 to index
          %parallel_loop3A_284 = arith.index_cast %parallel_loop3A_159 : i32 to index
          %parallel_loop3A_285 = arith.constant 144 : index
          %parallel_loop3A_286 = tpu.vector_load %arg9[%parallel_loop3A_283, %parallel_loop3A_284, %parallel_loop3A_285] {strides = array<i32>} : memref<2x16x196xf32, #tpu.memory_space<vmem>>, vector<16xf32>,
          tpu.vector_store %arg9[%parallel_loop3A_283, %parallel_loop3A_284, %parallel_loop3A_285], %parallel_loop3A_282 {strides = array<i32>} : memref<2x16x196xf32, #tpu.memory_space<vmem>>, vector<16xf32>,
          %parallel_loop3A_287 = vector.broadcast %parallel_loop3A_164 : i32 to vector<16xi32>
          %parallel_loop3A_288 = arith.addi %get3A_111, %parallel_loop3A_287 : vector<16xi32>
          %parallel_loop3A_289 = tpu.vector_load_idx %arg6[%parallel_loop3A_288] : memref<65536xf32, #tpu.memory_space<vmem>>[vector<16xi32>], vector<16xf32>,
          %parallel_loop3A_290 = arith.constant 160 : i32
          %parallel_loop3A_291 = arith.addi %parallel_loop3A_166, %parallel_loop3A_290 : i32
          %parallel_loop3A_292 = arith.index_cast %parallel_loop3A_291 : i32 to index
          %parallel_loop3A_293 = tpu.vector_load %arg7[%parallel_loop3A_292] {strides = array<i32>} : memref<50176xf32, #tpu.memory_space<vmem>>, vector<16xf32>,
          %parallel_loop3A_294 = arith.addf %parallel_loop3A_289, %parallel_loop3A_293 : vector<16xf32>
          %parallel_loop3A_295 = arith.index_cast %rem3A_129 : i32 to index
          %parallel_loop3A_296 = arith.index_cast %parallel_loop3A_159 : i32 to index
          %parallel_loop3A_297 = arith.constant 160 : index
          %parallel_loop3A_298 = tpu.vector_load %arg9[%parallel_loop3A_295, %parallel_loop3A_296, %parallel_loop3A_297] {strides = array<i32>} : memref<2x16x196xf32, #tpu.memory_space<vmem>>, vector<16xf32>,
          tpu.vector_store %arg9[%parallel_loop3A_295, %parallel_loop3A_296, %parallel_loop3A_297], %parallel_loop3A_294 {strides = array<i32>} : memref<2x16x196xf32, #tpu.memory_space<vmem>>, vector<16xf32>,
          %parallel_loop3A_299 = vector.broadcast %parallel_loop3A_164 : i32 to vector<16xi32>
          %parallel_loop3A_300 = arith.addi %get3A_114, %parallel_loop3A_299 : vector<16xi32>
          %parallel_loop3A_301 = tpu.vector_load_idx %arg6[%parallel_loop3A_300] : memref<65536xf32, #tpu.memory_space<vmem>>[vector<16xi32>], vector<16xf32>,
          %parallel_loop3A_302 = arith.constant 176 : i32
          %parallel_loop3A_303 = arith.addi %parallel_loop3A_166, %parallel_loop3A_302 : i32
          %parallel_loop3A_304 = arith.index_cast %parallel_loop3A_303 : i32 to index
          %parallel_loop3A_305 = tpu.vector_load %arg7[%parallel_loop3A_304] {strides = array<i32>} : memref<50176xf32, #tpu.memory_space<vmem>>, vector<16xf32>,
          %parallel_loop3A_306 = arith.addf %parallel_loop3A_301, %parallel_loop3A_305 : vector<16xf32>
          %parallel_loop3A_307 = arith.index_cast %rem3A_129 : i32 to index
          %parallel_loop3A_308 = arith.index_cast %parallel_loop3A_159 : i32 to index
          %parallel_loop3A_309 = arith.constant 176 : index
          %parallel_loop3A_310 = tpu.vector_load %arg9[%parallel_loop3A_307, %parallel_loop3A_308, %parallel_loop3A_309] {strides = array<i32>} : memref<2x16x196xf32, #tpu.memory_space<vmem>>, vector<16xf32>,
          tpu.vector_store %arg9[%parallel_loop3A_307, %parallel_loop3A_308, %parallel_loop3A_309], %parallel_loop3A_306 {strides = array<i32>} : memref<2x16x196xf32, #tpu.memory_space<vmem>>, vector<16xf32>,
          %parallel_loop3A_311 = vector.broadcast %parallel_loop3A_164 : i32 to vector<16xi32>
          %parallel_loop3A_312 = arith.addi %get3A_117, %parallel_loop3A_311 : vector<16xi32>
          %parallel_loop3A_313 = tpu.vector_load_idx %arg6[%parallel_loop3A_312] : memref<65536xf32, #tpu.memory_space<vmem>>[vector<16xi32>], vector<16xf32>,
          %parallel_loop3A_314 = arith.constant 192 : i32
          %parallel_loop3A_315 = arith.addi %parallel_loop3A_166, %parallel_loop3A_314 : i32
          %parallel_loop3A_316 = arith.index_cast %parallel_loop3A_315 : i32 to index
          %parallel_loop3A_317 = tpu.vector_load %arg7[%parallel_loop3A_316] {strides = array<i32>} : memref<50176xf32, #tpu.memory_space<vmem>>, vector<16xf32>,
          %parallel_loop3A_318 = vector.broadcast %rem3A_129 : i32 to vector<16xi32>
          %parallel_loop3A_319 = vector.broadcast %parallel_loop3A_159 : i32 to vector<16xi32>
          %parallel_loop3A_320 = arith.addf %parallel_loop3A_313, %parallel_loop3A_317 : vector<16xf32>
          tpu.vector_store_idx %arg9[%parallel_loop3A_318, %parallel_loop3A_319, %add3A_5], %parallel_loop3A_320 masked %lt3A_7 : memref<2x16x196xf32, #tpu.memory_space<vmem>>[vector<16xi32>, vector<16xi32>, vector<16xi32>], vector<16xf32>, vector<16xi1>
        } {sc.loop_unroll_factor = 2 : i64, sc.parallel_access}
        %add3A_139 = arith.addi %mul3A_2, %scan3A_63 : i32
        %mul3A_140 = arith.constant 16 : i32
        %mul3A_141 = arith.muli %scan3A_126, %mul3A_140 : i32
        %dma_start3A_142 = arith.constant 0 : i32
        %dma_start3A_143 = arith.constant 0 : i32
        %dma_start3A_144 = tpu.memref_slice %arg9[%rem3A_129, %dma_start3A_142, %dma_start3A_143] : memref<2x16x196xf32, #tpu.memory_space<vmem>> -> memref<1x16x196xf32, #tpu.memory_space<vmem>>
        %dma_start3A_145 = tpu.memref_squeeze %dma_start3A_144 : memref<1x16x196xf32, #tpu.memory_space<vmem>> -> memref<16x196xf32, #tpu.memory_space<vmem>>
        %dma_start3A_146 = arith.constant 0 : i32
        %dma_start3A_147 = tpu.memref_slice %arg5[%add3A_139, %mul3A_141, %dma_start3A_146] : memref<4096x256x196xf32, #tpu.memory_space<hbm>> -> memref<1x16x196xf32, #tpu.memory_space<hbm>>
        %dma_start3A_148 = tpu.memref_squeeze %dma_start3A_147 : memref<1x16x196xf32, #tpu.memory_space<hbm>> -> memref<16x196xf32, #tpu.memory_space<hbm>>
        %dma_start3A_149 = tpu.memref_slice %arg10[%rem3A_129] : memref<2x!tpu.dma_semaphore, #tpu.memory_space<semaphore_mem>> -> memref<1x!tpu.dma_semaphore, #tpu.memory_space<semaphore_mem>>
        %dma_start3A_150 = tpu.memref_squeeze %dma_start3A_149 : memref<1x!tpu.dma_semaphore, #tpu.memory_space<semaphore_mem>> -> memref<!tpu.dma_semaphore, #tpu.memory_space<semaphore_mem>>
        %dma_start3A_151 = arith.constant 0 : i32
        %dma_start3A_152 = tpu.memref_slice %arg5[%add3A_139, %mul3A_141, %dma_start3A_151] : memref<4096x256x196xf32, #tpu.memory_space<hbm>> -> memref<1x16x196xf32, #tpu.memory_space<hbm>>
        %dma_start3A_153 = tpu.memref_squeeze %dma_start3A_152 : memref<1x16x196xf32, #tpu.memory_space<hbm>> -> memref<16x196xf32, #tpu.memory_space<hbm>>
        %dma_start3A_154 = arith.constant 0 : i32
        %dma_start3A_155 = arith.constant 0 : i32
        %dma_start3A_156 = tpu.memref_slice %arg9[%rem3A_129, %dma_start3A_154, %dma_start3A_155] : memref<2x16x196xf32, #tpu.memory_space<vmem>> -> memref<1x16x196xf32, #tpu.memory_space<vmem>>
        %dma_start3A_157 = tpu.memref_squeeze %dma_start3A_156 : memref<1x16x196xf32, #tpu.memory_space<vmem>> -> memref<16x196xf32, #tpu.memory_space<vmem>>
        tpu.enqueue_dma source(%dma_start3A_157 : memref<16x196xf32, #tpu.memory_space<vmem>>) target(%dma_start3A_153 : memref<16x196xf32, #tpu.memory_space<hbm>>) target_semaphore(%dma_start3A_150 : memref<!tpu.dma_semaphore, #tpu.memory_space<semaphore_mem>>)
        %scan3A_158 = arith.constant 0 : i32
        scf.yield %scan3A_158 : i32
      }
      %scan3A_124 = arith.constant 16 : i32
      %scan3A_125 = arith.constant 0 : i32
      scf.yield %scan3A_125 : i32
    }
    %scan3A_23 = arith.constant 128 : i32
    %dma_wait3A = arith.constant 0 : i32
    %dma_wait3A_24 = arith.constant 0 : i32
    %dma_wait3A_25 = arith.constant 0 : i32
    %dma_wait3A_26 = arith.constant 0 : i32
    %dma_wait3A_27 = tpu.memref_slice %arg9[%dma_wait3A, %dma_wait3A_25, %dma_wait3A_26] : memref<2x16x196xf32, #tpu.memory_space<vmem>> -> memref<1x16x196xf32, #tpu.memory_space<vmem>>
    %dma_wait3A_28 = tpu.memref_squeeze %dma_wait3A_27 : memref<1x16x196xf32, #tpu.memory_space<vmem>> -> memref<16x196xf32, #tpu.memory_space<vmem>>
    %dma_wait3A_29 = arith.constant 0 : i32
    %dma_wait3A_30 = arith.constant 0 : i32
    %dma_wait3A_31 = tpu.memref_slice %arg5[%mul3A_2, %dma_wait3A_29, %dma_wait3A_30] : memref<4096x256x196xf32, #tpu.memory_space<hbm>> -> memref<1x16x196xf32, #tpu.memory_space<hbm>>
    %dma_wait3A_32 = tpu.memref_squeeze %dma_wait3A_31 : memref<1x16x196xf32, #tpu.memory_space<hbm>> -> memref<16x196xf32, #tpu.memory_space<hbm>>
    %dma_wait3A_33 = tpu.memref_slice %arg10[%dma_wait3A_24] : memref<2x!tpu.dma_semaphore, #tpu.memory_space<semaphore_mem>> -> memref<1x!tpu.dma_semaphore, #tpu.memory_space<semaphore_mem>>
    %dma_wait3A_34 = tpu.memref_squeeze %dma_wait3A_33 : memref<1x!tpu.dma_semaphore, #tpu.memory_space<semaphore_mem>> -> memref<!tpu.dma_semaphore, #tpu.memory_space<semaphore_mem>>
    %dma_wait3A_35 = arith.constant 0 : i32
    %dma_wait3A_36 = arith.constant 0 : i32
    %dma_wait3A_37 = tpu.memref_slice %arg5[%mul3A_2, %dma_wait3A_35, %dma_wait3A_36] : memref<4096x256x196xf32, #tpu.memory_space<hbm>> -> memref<1x16x196xf32, #tpu.memory_space<hbm>>
    %dma_wait3A_38 = tpu.memref_squeeze %dma_wait3A_37 : memref<1x16x196xf32, #tpu.memory_space<hbm>> -> memref<16x196xf32, #tpu.memory_space<hbm>>
    %dma_wait3A_39 = arith.constant 0 : i32
    %dma_wait3A_40 = arith.constant 0 : i32
    %dma_wait3A_41 = tpu.memref_slice %arg9[%dma_wait3A, %dma_wait3A_39, %dma_wait3A_40] : memref<2x16x196xf32, #tpu.memory_space<vmem>> -> memref<1x16x196xf32, #tpu.memory_space<vmem>>
    %dma_wait3A_42 = tpu.memref_squeeze %dma_wait3A_41 : memref<1x16x196xf32, #tpu.memory_space<vmem>> -> memref<16x196xf32, #tpu.memory_space<vmem>>
    tpu.wait_dma2 semaphore(%dma_wait3A_34 : memref<!tpu.dma_semaphore, #tpu.memory_space<semaphore_mem>>) src(%dma_wait3A_42 : memref<16x196xf32, #tpu.memory_space<vmem>>) dst(%dma_wait3A_38 : memref<16x196xf32, #tpu.memory_space<hbm>>)
    %dma_wait3A_43 = arith.constant 1 : i32
    %dma_wait3A_44 = arith.constant 1 : i32
    %dma_wait3A_45 = arith.constant 0 : i32
    %dma_wait3A_46 = arith.constant 0 : i32
    %dma_wait3A_47 = tpu.memref_slice %arg9[%dma_wait3A_43, %dma_wait3A_45, %dma_wait3A_46] : memref<2x16x196xf32, #tpu.memory_space<vmem>> -> memref<1x16x196xf32, #tpu.memory_space<vmem>>
    %dma_wait3A_48 = tpu.memref_squeeze %dma_wait3A_47 : memref<1x16x196xf32, #tpu.memory_space<vmem>> -> memref<16x196xf32, #tpu.memory_space<vmem>>
    %dma_wait3A_49 = arith.constant 0 : i32
    %dma_wait3A_50 = arith.constant 0 : i32
    %dma_wait3A_51 = tpu.memref_slice %arg5[%mul3A_2, %dma_wait3A_49, %dma_wait3A_50] : memref<4096x256x196xf32, #tpu.memory_space<hbm>> -> memref<1x16x196xf32, #tpu.memory_space<hbm>>
    %dma_wait3A_52 = tpu.memref_squeeze %dma_wait3A_51 : memref<1x16x196xf32, #tpu.memory_space<hbm>> -> memref<16x196xf32, #tpu.memory_space<hbm>>
    %dma_wait3A_53 = tpu.memref_slice %arg10[%dma_wait3A_44] : memref<2x!tpu.dma_semaphore, #tpu.memory_space<semaphore_mem>> -> memref<1x!tpu.dma_semaphore, #tpu.memory_space<semaphore_mem>>
    %dma_wait3A_54 = tpu.memref_squeeze %dma_wait3A_53 : memref<1x!tpu.dma_semaphore, #tpu.memory_space<semaphore_mem>> -> memref<!tpu.dma_semaphore, #tpu.memory_space<semaphore_mem>>
    %dma_wait3A_55 = arith.constant 0 : i32
    %dma_wait3A_56 = arith.constant 0 : i32
    %dma_wait3A_57 = tpu.memref_slice %arg5[%mul3A_2, %dma_wait3A_55, %dma_wait3A_56] : memref<4096x256x196xf32, #tpu.memory_space<hbm>> -> memref<1x16x196xf32, #tpu.memory_space<hbm>>
    %dma_wait3A_58 = tpu.memref_squeeze %dma_wait3A_57 : memref<1x16x196xf32, #tpu.memory_space<hbm>> -> memref<16x196xf32, #tpu.memory_space<hbm>>
    %dma_wait3A_59 = arith.constant 0 : i32
    %dma_wait3A_60 = arith.constant 0 : i32
    %dma_wait3A_61 = tpu.memref_slice %arg9[%dma_wait3A_43, %dma_wait3A_59, %dma_wait3A_60] : memref<2x16x196xf32, #tpu.memory_space<vmem>> -> memref<1x16x196xf32, #tpu.memory_space<vmem>>
    %dma_wait3A_62 = tpu.memref_squeeze %dma_wait3A_61 : memref<1x16x196xf32, #tpu.memory_space<vmem>> -> memref<16x196xf32, #tpu.memory_space<vmem>>
    tpu.wait_dma2 semaphore(%dma_wait3A_54 : memref<!tpu.dma_semaphore, #tpu.memory_space<semaphore_mem>>) src(%dma_wait3A_62 : memref<16x196xf32, #tpu.memory_space<vmem>>) dst(%dma_wait3A_58 : memref<16x196xf32, #tpu.memory_space<hbm>>)
    return
  }
}

</mosaic_0001>

<sc_bundles>
// kernel: _embed_pos_sc.3.cloned.1.call-start
scs
__scs_entry_jumppad:
0x0: {  	(pc) =	sbr.rel $0x88, $3  }
0x1: {  	(tag) =	ssettag $0x0;
	lr =	simm.s32 $0x1  }
0x2: {  	[smem:$0x3F9E] =	sst lr;
	_ =	strace $0xD0000000  }
0x3: {  	_ = 	snop  }
0x4: {  	_ = 	snop  }
0x5: {  	_ = 	snop  }
0x6: {  	_ = 	snop  }
0x7: {  	_ = 	snop  }
__scs_overlays_trampoline_lowered:
0x8: {  	[smem:$0x3FAD] =	sst s0  }
0x9: {  	[smem:$0x3FAE] =	sst s1  }
0xa: {  	[smem:$0x3FAF] =	sst s2  }
0xb: {  	[smem:$0x3FB0] =	sst s3  }
0xc: {  	[smem:$0x3FB1] =	sst s4  }
0xd: {  	[smem:$0x3FB2] =	sst s5  }
0xe: {  	[smem:$0x3FB3] =	sst s6  }
0xf: {  	[smem:$0x3FB4] =	sst s7  }
0x10: {  	[smem:$0x3FB5] =	sst s8  }
0x11: {  	[smem:$0x3FB6] =	sst s9;
	s0 =	simm.s32 @!p0 $0x0  }
0x12: {  	s1 =	sld [smem:$0x3F9C];
	s0 =	simm.s32 @p0 $0x1  }
0x13: {  	[smem:$0x3FB7] =	sst s0;
	s0 =	simm.s32 @!p1 $0x0  }
0x14: {  	s2 =	sld [smem:$0x3F9B];
	s0 =	simm.s32 @p1 $0x1  }
0x15: {  	[smem:$0x3FB8] =	sst s0;
	s0 =	simm.s32 @!p2 $0x0  }
0x16: {  	s3 =	sld [smem:$0x3FDB];
	s0 =	simm.s32 @p2 $0x1  }
0x17: {  	s4 =	simm.s32 $0x1BF5;
	[smem:$0x3FBA] =	sst s0  }
0x18: {  	s0 =	sld [smem:$0x3F9D];
	_ =	swait.ge [sflag:s4], $0x0  }
0x19: {  	s7 =	sld [smem:$0x3F9E]  }
0x1a: {  	s8 =	sadd.s32 $0xFFFFE003, lr  }
0x1b: {  	s9 =	sadd.s32 $0xFFFFFEF7, lr;
	s5 =	simm.s32 $0xFFFFFFFF;
	p2 =	slt.u32 s8, $0xFFFFF086  }
0x1c: {  	p1 =	slt.u32 s9, $0xF7A;
	s5 =	simm.s32 @!p2 $0x0  }
0x1d: {  	s5 =	simm.s32 @p1 $0x1;
	p0 =	seq.s32 s7, s2  }
0x1e: {  	s7 =	smul.u32 @!p0 $0xF7A, s2;
	p2 =	seq.s32 @!p0 s5, $0x0  }
0x1f: {  	s9 =	smul.u32 $0xF7A, s1;
	s8 =	simm.s32 @!p0 $0x1BF5;
	p2 =	por !p2, p0  }
0x20: {  	[sflag:s8] =	ssyncset.s32 @!p0 $0xFFFFF086;
	s6 =	sadd.s32 @!p0 s3, s7;
	s7 =	simm.s32 @!p0 $0x108  }
0x21: {  	s3 =	sadd.s32 s3, s9;
	s6 =	sadd.s32 @!p0 $0x88, s6;
	s7 =	simm.s32 @p2 $0x1082  }
0x22: {  	[simem:s7], [sflag:s8] =	dma.local @!p0 [hbm:s6], $0xF7A  }
0x23: {  	s9 =	sor.u32 $0xD0000000, s2;
	s6 =	simm.s32 $0x108;
	_ =	swait.ge @!p0 [sflag:s8], $0x0  }
0x24: {  	s3 =	sadd.s32 $0x88, s3;
	s6 =	simm.s32 @!p1 $0x1082;
	[sflag:s4] =	ssyncset.s32 $0xFFFFF086  }
0x25: {  	[simem:s6], [sflag:s4] =	dma.local [hbm:s3], $0xF7A  }
0x26: {  	[smem:$0x3F9E] =	sst s1;
	(tag) =	ssettag s2;
	_ =	strace s9  }
0x27: {  	s1 =	sld [smem:$0x3FAE]  }
0x28: {  	s2 =	sld [smem:$0x3FAF]  }
0x29: {  	s4 =	sld [smem:$0x3FB1]  }
0x2a: {  	p0 =	seq.s32 s5, $0x0;
	s5 =	sld [smem:$0x3FB2]  }
0x2b: {  	s6 =	sld [smem:$0x3FB3]  }
0x2c: {  	s7 =	sld [smem:$0x3FB4]  }
0x2d: {  	s3 =	simm.s32 $0x108;
	s8 =	sld [smem:$0x3FB5]  }
0x2e: {  	s3 =	simm.s32 @!p0 $0x1082;
	s9 =	sld [smem:$0x3FB6]  }
0x2f: {  	lr =	sadd.s32 s0, s3;
	s0 =	sld [smem:$0x3FAD]  }
0x30: {  	s3 =	sld [smem:$0x3FB0]  }
0x31: {  	[smem:$0x3FB9] =	sst s10  }
0x32: {  	s10 =	sld [smem:$0x3FB7];
	_ =	sdelay $0x3  }
0x33: {  	p0 =	seq.s32 s10, $0x1;
	s10 =	sld [smem:$0x3FB9];
	_ =	sdelay $0x3  }
0x34: {  	[smem:$0x3FB9] =	sst s10  }
0x35: {  	s10 =	sld [smem:$0x3FB8];
	_ =	sdelay $0x3  }
0x36: {  	p1 =	seq.s32 s10, $0x1;
	s10 =	sld [smem:$0x3FB9];
	_ =	sdelay $0x3  }
0x37: {  	[smem:$0x3FB9] =	sst s10  }
0x38: {  	s10 =	sld [smem:$0x3FBA]  }
0x39: {  	_ = 	snop;
	(pc) =	sbr.ind lr, $3  }
0x3a: {  	_ = 	snop  }
0x3b: {  	_ = 	snop  }
0x3c: {  	p2 =	seq.s32 s10, $0x1;
	s10 =	sld [smem:$0x3FB9]  }
0x3d: {  	_ =	shalt  }
0x3e: {  	_ =	shalt  }
0x3f: {  	_ =	shalt  }
0x40: {  	_ =	shalt  }
0x41: {  	_ =	shalt  }
0x42: {  	_ =	shalt  }
0x43: {  	_ =	shalt  }
0x44: {  	_ =	shalt  }
0x45: {  	_ =	shalt  }
0x46: {  	_ =	shalt  }
0x47: {  	_ =	shalt  }
0x48: {  	_ =	shalt  }
0x49: {  	_ =	shalt  }
0x4a: {  	_ =	shalt  }
0x4b: {  	_ =	shalt  }
0x4c: {  	_ =	shalt  }
0x4d: {  	_ =	shalt  }
0x4e: {  	_ =	shalt  }
0x4f: {  	_ =	shalt  }
0x50: {  	_ =	shalt  }
0x51: {  	_ =	shalt  }
0x52: {  	_ =	shalt  }
0x53: {  	_ =	shalt  }
0x54: {  	_ =	shalt  }
0x55: {  	_ =	shalt  }
0x56: {  	_ =	shalt  }
0x57: {  	_ =	shalt  }
0x58: {  	_ =	shalt  }
0x59: {  	_ =	shalt  }
0x5a: {  	_ =	shalt  }
0x5b: {  	_ =	shalt  }
0x5c: {  	_ =	shalt  }
0x5d: {  	_ =	shalt  }
0x5e: {  	_ =	shalt  }
0x5f: {  	_ =	shalt  }
0x60: {  	_ =	shalt  }
0x61: {  	_ =	shalt  }
0x62: {  	_ =	shalt  }
0x63: {  	_ =	shalt  }
0x64: {  	_ =	shalt  }
0x65: {  	_ =	shalt  }
0x66: {  	_ =	shalt  }
0x67: {  	_ =	shalt  }
0x68: {  	_ =	shalt  }
0x69: {  	_ =	shalt  }
0x6a: {  	_ =	shalt  }
0x6b: {  	_ =	shalt  }
0x6c: {  	_ =	shalt  }
0x6d: {  	_ =	shalt  }
0x6e: {  	_ =	shalt  }
0x6f: {  	_ =	shalt  }
0x70: {  	_ =	shalt  }
0x71: {  	_ =	shalt  }
0x72: {  	_ =	shalt  }
0x73: {  	_ =	shalt  }
0x74: {  	_ =	shalt  }
0x75: {  	_ =	shalt  }
0x76: {  	_ =	shalt  }
0x77: {  	_ =	shalt  }
0x78: {  	_ =	shalt  }
0x79: {  	_ =	shalt  }
0x7a: {  	_ =	shalt  }
0x7b: {  	_ =	shalt  }
0x7c: {  	_ =	shalt  }
0x7d: {  	_ =	shalt  }
0x7e: {  	_ =	shalt  }
0x7f: {  	_ =	shalt  }
0x80: {  	_ =	shalt  }
0x81: {  	_ =	shalt  }
0x82: {  	_ =	shalt  }
0x83: {  	_ =	shalt  }
0x84: {  	_ =	shalt  }
0x85: {  	_ =	shalt  }
0x86: {  	_ =	shalt  }
0x87: {  	_ =	shalt  }
.Lfunc_end0:
.L_simem_size_0:
called_computation_lowered:
.L_overlay_start_0:
0x88: {  	s2 =	sld [smem:$0x3FD9]  }
0x89: {  	s3 =	sld [smem:$0x3FFE];
	_ =	sdelay $0x1  }
0x8a: {  	s1 =	srdreg.scid  }
0x8b: {  	s0 =	sand.u32 $0x1, s1  }
0x8c: {  	s17 =	sshll.u32 s0, $0xA;
	s2 =	sadd.s32 s3, s2  }
0x8d: {  	s2 =	sadd.s32 s2, s17  }
0x8e: {  	[smem:$0x3FC5] =	sst s2  }
0x8f: {  	_ = 	snop  }
0x90: {  	s2 =	sld [smem:$0x3FC9]  }
0x91: {  	s18 =	sld [smem:$0x3FC8]  }
0x92: {  	s4 =	sld [smem:$0x3FC7];
	(tm) =	ssettm $0x1  }
0x93: {  	s5 =	sld [smem:$0x3FFB];
	_ =	sdelay $0x3  }
0x94: {  	_ =	strace s5  }
0x95: {  	s5 =	sld [smem:$0x3FFC];
	_ =	sdelay $0x3  }
0x96: {  	_ =	strace s5  }
0x97: {  	s5 =	sld [smem:$0x3FFD];
	_ =	sdelay $0x3  }
0x98: {  	_ =	strace s5  }
0x99: {  	_ =	strace $0x8FFFFFFF  }
0x9a: {  	s19 =	sld [smem:$0x3FDB];
	_ =	sdelay $0x1  }
0x9b: {  	s6 =	simm.s32 $_scs_section_size  }
0x9c: {  	s7 =	simm.s32 $_size__tile_overlayer_lowered;
	s8 =	simm.s32 $_tile_overlayer_lowered  }
0x9d: {  	s22 =	simm.s32 $0x1BFF;
	s21 =	sshll.u32 s8, $0x1;
	s5 =	sadd.s32 s6, s19  }
0x9e: {  	s9 =	simm.s32 $0x0;
	s20 =	sshll.u32 s7, $0x1;
	s7 =	sadd.s32 s21, s5  }
0x9f: {  	[timem:s9], [sflag:s22] =	dma.local [hbm:s7], s20  }
0xa0: {  	_ =	swait.ge [sflag:s22], s20  }
0xa1: {  	s6 =	ssub.s32 $0x0, s20;
	[sflag:s22] =	ssyncset.done $0x0  }
0xa2: {  	[sflag:s22] =	ssyncadd.s32 s6;
	_ =	sdelay $0x1  }
0xa3: {  	s23 =	simm.s32 $0x1B8B  }
0xa4: {  	_ =	swait.ge [sflag:s23], $0x1  }
0xa5: {  	[sflag:s23] =	ssyncset.done $0x0  }
0xa6: {  	s25 =	simm.s32 $0x1B8E;
	s24 =	sld [smem:$0x3FFE];
	[sflag:s23] =	ssyncadd.s32 $0xFFFFFFFF  }
0xa7: {  	s26 =	simm.s32 $execute0_lowered;
	[smem:$0x3FD2] =	sst s25  }
0xa8: {  	s7 =	sshll.u32 s26, $0x1;
	_ =	strace $0x80000046;
	[dreg:$0x1] =	wrdreg $0xFFFFFFFF  }
0xa9: {  	s28 =	simm.s32 $_size_execute0_lowered;
	s5 =	sadd.s32 s5, s7;
	[dreg:$0x0] =	wrdreg $0x0  }
0xaa: {  	s7 =	sshll.u32 s28, $0x1;
	[dreg:$0x2] =	wrdreg s5  }
0xab: {  	[dreg:$0x3] =	wrdreg s7  }
0xac: {  	[dreg:$0x4] =	wrdreg $0xC0  }
0xad: {  	_ =	task [dreg:s9], $0x5FFFF  }
0xae: {  	[dreg:$0x1] =	wrdreg $0xFFFFFFFF  }
0xaf: {  	[dreg:$0x0] =	wrdreg $0x60  }
0xb0: {  	[dreg:$0x2] =	wrdreg s2  }
0xb1: {  	[dreg:$0x3] =	wrdreg s18  }
0xb2: {  	[dreg:$0x4] =	wrdreg s4  }
0xb3: {  	[dreg:$0x5] =	wrdreg s24  }
0xb4: {  	[dreg:$0x6] =	wrdreg $0x9  }
0xb5: {  	_ =	task.clear_ibuf [dreg:s9], $0x7FFFF;
	_ =	strace $0x90000046  }
0xb6: {  	s29 =	simm.s32 $0x9;
	_ =	strace $0x80000048  }
0xb7: {  	_ =	swait.ge [sflag:s29], $0x1  }
0xb8: {  	[sflag:s29] =	ssyncadd.s32 $0xFFFFFFFF  }
0xb9: {  	_ =	strace $0x90000048  }
0xba: {  	_ =	sfence  }
0xbb: {  	s30 =	sld [smem:$0x0];
	_ =	sdelay $0x2  }
0xbc: {  	s31 =	sshll.u32 s1, $0xD;
	s1 =	sshrl.u32 s1, $0x2  }
0xbd: {  	s3 =	sand.u32 $0x4000, s31;
	s1 =	sadd.s32 s1, s30  }
0xbe: {  	s0 =	sor.u32 s3, s0;
	s1 =	sshll.u32 s1, $0x11  }
0xbf: {  	s0 =	sor.u32 s1, s0  }
0xc0: {  	s0 =	sadd.s32 $0x8F2B, s0  }
0xc1: {  	[sflag:s0] =	ssyncadd.remote.s32 $0x1  }
0xc2: {  	_ =	sfence.sel $0xFFFF  }
0xc3: {  	[dreg:$0x0] =	wrdreg $0xFFFFFFFF;
	(pc) =	sbr.abs _section_cstart, $3  }
0xc4: {  	[dreg:$0x1] =	wrdreg $0xFFFFFFFF  }
0xc5: {  	_ =	task.clear_ibuf [dreg:s9], $0x2FFFF;
	_ =	strace $0x9FFFFFFF  }
0xc6: {  	(tm) =	ssettm $0x7FFFFFFF  }
0xc7: {  	_ =	shalt  }
tec
execute0_lowered:
.L_overlay_start_1:
0x0: {  	(tag) =	ssettag $0x1  }
0x1: {  	s0 =	rddreg [dreg:$0x2]  }
0x2: {  	s1 =	rddreg [dreg:$0x3];
	s4 =	simm.s32 $0x0;
	s2 =	srdreg.scid  }
0x3: {  	s3 =	stileid.u32;
	[smem:$0x7FF] =	sst s4;
	s2 =	sand.u32 $0x1, s2  }
0x4: {  	s3 =	sshll.u32 s3, $0x1;
	s1 =	sadd.s32 $0x400, s1;
	_ =	strace $0x80000047  }
0x5: {  	s5 =	ssub.s32 $0x2, s2;
	s2 =	sor.u32 s2, s3;
	[dreg:$0x5] =	wrdreg s1  }
0x6: {  	s28 =	sshrl.u32 s5, $0x1;
	s3 =	sshll.u32 s2, $0xC;
	s2 =	sshll.u32 s2, $0x7  }
0x7: {  	[dreg:$0x6] =	wrdreg s2;
	s29 =	sadd.s32 s0, s3;
	s0 =	sadd.s32 $0x20, s0  }
0x8: {  	s1 =	ssub.s32 s5, s28;
	[dreg:$0x8] =	wrdreg s0  }
0x9: {  	s30 =	smax.u32 s1, $0x1;
	[dreg:$0x7] =	wrdreg s29  }
0xa: {  	v0 =	vlaneseq.u32;
	s31 =	sadd.s32 $0x10, s29;
	[dreg:$0x9] =	wrdreg s30  }
0xb: {  	s16 =	simm.s32 $0x1C600;
	v0 =	vor.u32 $0x440, v0;
	s2 =	simm.s32 $0x0;
	[dreg:$0xa] =	wrdreg s31  }
.LBB2_1:
0xc: {  	[dreg:$0xb] =	wrdreg s2  }
0xd: {  	s0 =	rddreg [dreg:$0x0];
	s1 =	simm.s32 $0x4  }
0xe: {  	[tilespmem:s4], [sflag:$0x4] =	stream.linear.gather [hbm4b:s0+s4], $0x10000, $0x38;
	[tilespmem:$0x1E600] =	vst v63  }
0xf: {  	_ =	swait.ge [sflag:s1], $0x10000  }
0x10: {  	[sflag:s1] =	ssyncset.done $0x0  }
0x11: {  	[sflag:s1] =	ssyncadd.s32 $0xFFFF0000  }
0x12: {  	s26 =	simm.s32 $0x10000;
	s25 =	rddreg [dreg:$0x1]  }
0x13: {  	[tilespmem:s26], [sflag:$0x4] =	stream.linear.gather [hbm4b:s25+s4], $0xC400, $0x38;
	[tilespmem:$0x1E600] =	vst v63  }
0x14: {  	_ =	swait.ge [sflag:s1], $0xC400  }
0x15: {  	[sflag:s1] =	ssyncset.done $0x0  }
0x16: {  	s29 =	simm.s32 $0x1C400;
	s28 =	rddreg [dreg:$0x7];
	[sflag:s1] =	ssyncadd.s32 $0xFFFF3C00  }
0x17: {  	[tilespmem:s29], [sflag:$0x3] =	stream.linear.gather [hbm4b:s28+s4], $0x80, $0x38;
	[tilespmem:$0x1E600] =	vst v63  }
0x18: {  	s31 =	simm.s32 $0x1C500;
	s7 =	simm.s32 $0x0;
	s30 =	rddreg [dreg:$0xa]  }
0x19: {  	[tilespmem:s31], [sflag:$0x3] =	stream.linear.gather [hbm4b:s30+s4], $0x80, $0x38;
	[tilespmem:$0x1E600] =	vst v63  }
.LBB2_2:
0x1a: {  	s2 =	simm.s32 $0x3  }
0x1b: {  	p0 =	seq.s32 s7, $0x7F;
	_ =	swait.ge [sflag:s2], $0x100  }
0x1c: {  	s0 =	sshll.u32 @!p0 s7, $0x7;
	s1 =	rddreg [dreg:$0x6];
	[sflag:s2] =	ssyncset.done $0x0  }
0x1d: {  	s0 =	sand.u32 @!p0 $0x80, s0;
	s6 =	rddreg [dreg:$0x8];
	s1 =	sadd.s32 s1, s7  }
0x1e: {  	[sflag:s2] =	ssyncadd.s32 $0xFFFFFF00;
	s2 =	sxor.u32 @!p0 $0x80, s0;
	s3 =	sshll.u32 @!p0 s1, $0x5  }
0x1f: {  	s5 =	sor.u32 @!p0 $0x1C400, s2;
	s3 =	sadd.s32 @!p0 s3, s6;
	s6 =	simm.s32 @!p0 $0x0  }
0x20: {  	[tilespmem:s5], [sflag:$0x3] =	stream.linear.gather @!p0 [hbm4b:s3+s6], $0x80, $0x38;
	[tilespmem:$0x1E600] =	vst v63  }
0x21: {  	s0 =	simm.s32 @p0 $0x80;
	s2 =	sor.u32 @!p0 $0x1C500, s2;
	s3 =	sadd.s32 @!p0 $0x10, s3  }
0x22: {  	[tilespmem:s2], [sflag:$0x3] =	stream.linear.gather @!p0 [hbm4b:s3+s6], $0x80, $0x38;
	[tilespmem:$0x1E600] =	vst v63  }
0x23: {  	v1 =	vld [tilespmem:s0+$0x1C400]  }
0x24: {  	v2 =	vld [tilespmem:s0+$0x1C410]  }
0x25: {  	v3 =	vld [tilespmem:s0+$0x1C420]  }
0x26: {  	v4 =	vld [tilespmem:s0+$0x1C430]  }
0x27: {  	v5 =	vld [tilespmem:s0+$0x1C440]  }
0x28: {  	v6 =	vld [tilespmem:s0+$0x1C450]  }
0x29: {  	v7 =	vld [tilespmem:s0+$0x1C460]  }
0x2a: {  	v8 =	vld [tilespmem:s0+$0x1C470]  }
0x2b: {  	s26 =	sshll.u32 s7, $0x4;
	s23 =	simm.s32 $0xC4;
	v9 =	vld [tilespmem:s0+$0x1C500]  }
0x2c: {  	s8 =	simm.s32 $0x10;
	s21 =	simm.s32 $0x100C4;
	[dreg:$0xc] =	wrdreg s7;
	v10 =	vld [tilespmem:s0+$0x1C510]  }
0x2d: {  	s28 =	simm.s32 $0x0;
	s29 =	rddreg [dreg:$0x5];
	s1 =	sshll.u32 s1, $0xD;
	v11 =	vld [tilespmem:s0+$0x1C520]  }
0x2e: {  	s9 =	simm.s32 $0x0;
	[dreg:$0xd] =	wrdreg s26;
	s1 =	sadd.s32 s29, s1;
	v12 =	vld [tilespmem:s0+$0x1C530]  }
0x2f: {  	s30 =	simm.s32 $0x0;
	s31 =	simm.s32 $0x0;
	[dreg:$0xe] =	wrdreg s1;
	v13 =	vld [tilespmem:s0+$0x1C540]  }
.LBB2_3:
0x30: {  	s10 =	sadd.s32 $0x0, s30;
	s0 =	rddreg [dreg:$0xd]  }
0x31: {  	s1 =	sadd.s32 s0, s31;
	s0 =	sadd.s32 $0x100, s10  }
0x32: {  	s2 =	sand.u32 $0x1, s31;
	p0 =	slt.u32 s1, $0x2;
	v14 =	vadd.s32 s0, v1  }
0x33: {  	s1 =	sadd.s32 @!p0 $0x1, s2  }
0x34: {  	_ =	swait.ge @!p0 [sflag:s1], $0x1000  }
0x35: {  	[sflag:s1] =	ssyncset.done @!p0 $0x0  }
0x36: {  	[sflag:s1] =	ssyncadd.s32 @!p0 $0xFFFFF000  }
0x37: {  	v14 =	vld.idx.msk [tilespmem:v14+s4+$0x0], $0xffff  }
0x38: {  	v15 =	vld [tilespmem:s21+$0x0];
	_ =	sdelay $0x2  }
0x39: {  	s25 =	simm.s32 $0x0;
	s15 =	sshll.u32 s2, $0xC;
	v16 =	vadd.s32 s0, v2  }
0x3a: {  	s18 =	simm.s32 $0x80;
	s17 =	sand.u32 $0x800, s25;
	s3 =	sor.u32 $0x1C600, s15  }
0x3b: {  	s1 =	sadd.s32 s17, s3;
	[dreg:$0x11] =	wrdreg s2;
	s2 =	sand.u32 $0x380, s18;
	v14 =	vadd.f32 v15, v14  }
0x3c: {  	s5 =	sadd.s32 s2, s1  }
0x3d: {  	[tilespmem:s5+$0x0] =	vst v14  }
0x3e: {  	v14 =	vld.idx.msk [tilespmem:v16+s4+$0x0], $0xffff  }
0x3f: {  	v15 =	vld [tilespmem:s21+$0x10];
	_ =	sdelay $0x2  }
0x40: {  	v16 =	vadd.s32 s0, v3;
	_ =	sdelay $0x1  }
0x41: {  	v17 =	vadd.s32 s10, v1;
	v14 =	vadd.f32 v15, v14;
	_ =	sdelay $0x1  }
0x42: {  	[tilespmem:s5+$0x10] =	vst v14  }
0x43: {  	v14 =	vld.idx.msk [tilespmem:v16+s4+$0x0], $0xffff  }
0x44: {  	v15 =	vld [tilespmem:s21+$0x20]  }
0x45: {  	v16 =	vld.idx.msk [tilespmem:v17+s4+$0x0], $0xffff  }
0x46: {  	v17 =	vld [tilespmem:s21+$0xFFFFFF3C]  }
0x47: {  	v18 =	vadd.s32 s0, v4;
	_ =	sdelay $0x1  }
0x48: {  	v19 =	vadd.s32 s10, v2;
	v14 =	vadd.f32 v15, v14;
	_ =	sdelay $0x1  }
0x49: {  	s19 =	sand.u32 $0x300, s25;
	v15 =	vadd.f32 v17, v16;
	[tilespmem:s5+$0x20] =	vst v14  }
0x4a: {  	s12 =	sadd.s32 s19, s1;
	v14 =	vld.idx.msk [tilespmem:v18+s4+$0x0], $0xffff  }
0x4b: {  	[tilespmem:s12+$0x0] =	vst v15;
	v15 =	vld [tilespmem:s21+$0x30]  }
0x4c: {  	v16 =	vld.idx.msk [tilespmem:v19+s4+$0x0], $0xffff  }
0x4d: {  	v17 =	vld [tilespmem:s21+$0xFFFFFF4C]  }
0x4e: {  	v18 =	vadd.s32 s0, v5;
	_ =	sdelay $0x1  }
0x4f: {  	v19 =	vadd.s32 s10, v3;
	v14 =	vadd.f32 v15, v14;
	_ =	sdelay $0x1  }
0x50: {  	v15 =	vadd.f32 v17, v16;
	[tilespmem:s5+$0x30] =	vst v14  }
0x51: {  	v14 =	vld.idx.msk [tilespmem:v18+s4+$0x0], $0xffff  }
0x52: {  	[tilespmem:s12+$0x10] =	vst v15;
	v15 =	vld [tilespmem:s21+$0x40]  }
0x53: {  	v16 =	vld.idx.msk [tilespmem:v19+s4+$0x0], $0xffff  }
0x54: {  	v17 =	vld [tilespmem:s21+$0xFFFFFF5C]  }
0x55: {  	v18 =	vadd.s32 s0, v6;
	_ =	sdelay $0x1  }
0x56: {  	v19 =	vadd.s32 s10, v4;
	v14 =	vadd.f32 v15, v14;
	_ =	sdelay $0x1  }
0x57: {  	v15 =	vadd.f32 v17, v16;
	[tilespmem:s5+$0x40] =	vst v14  }
0x58: {  	s18 =	sadd.s32 $0x200, s30;
	v14 =	vld.idx.msk [tilespmem:v18+s4+$0x0], $0xffff  }
0x59: {  	s2 =	sadd.s32 $0x100, s18;
	[tilespmem:s12+$0x20] =	vst v15;
	v15 =	vld [tilespmem:s21+$0x50]  }
0x5a: {  	v17 =	vadd.s32 s2, v1;
	v16 =	vld.idx.msk [tilespmem:v19+s4+$0x0], $0xffff  }
0x5b: {  	v18 =	vld [tilespmem:s21+$0xFFFFFF6C]  }
0x5c: {  	v19 =	vadd.s32 s0, v7;
	_ =	sdelay $0x1  }
0x5d: {  	v20 =	vadd.s32 s10, v5;
	v14 =	vadd.f32 v15, v14  }
0x5e: {  	s1 =	sadd.s32 $0x188, s21;
	v15 =	vld.idx.msk [tilespmem:v17+s4+$0x0], $0xffff  }
0x5f: {  	v16 =	vadd.f32 v18, v16;
	v17 =	vld [tilespmem:s1+$0x0];
	[tilespmem:s5+$0x50] =	vst v14  }
0x60: {  	v18 =	vld.idx.msk [tilespmem:v19+s4+$0x0], $0xffff  }
0x61: {  	v14 =	vadd.s32 s18, v1;
	[tilespmem:s12+$0x30] =	vst v16;
	v16 =	vld [tilespmem:s21+$0x60]  }
0x62: {  	s6 =	simm.s32 $0x200;
	v19 =	vld.idx.msk [tilespmem:v20+s4+$0x0], $0xffff;
	v20 =	vadd.s32 s2, v2  }
0x63: {  	s7 =	simm.s32 $0x180;
	s6 =	sand.u32 $0x800, s6;
	v21 =	vld [tilespmem:s21+$0xFFFFFF7C]  }
0x64: {  	s7 =	sand.u32 $0x380, s7;
	s6 =	sadd.s32 s6, s3;
	v15 =	vadd.f32 v17, v15;
	v17 =	vadd.s32 s0, v8  }
0x65: {  	s14 =	sadd.s32 s7, s6;
	v23 =	vld [tilespmem:s1+$0xFFFFFF3C]  }
0x66: {  	v22 =	vadd.s32 s10, v6;
	v14 =	vld.idx.msk [tilespmem:v14+s4+$0x0], $0xffff;
	[tilespmem:s14+$0x0] =	vst v15;
	v15 =	vadd.f32 v16, v18  }
0x67: {  	v16 =	vld.idx.msk [tilespmem:v20+s4+$0x0], $0xffff  }
0x68: {  	v18 =	vadd.f32 v21, v19;
	v19 =	vld [tilespmem:s1+$0x10];
	[tilespmem:s5+$0x60] =	vst v15  }
0x69: {  	v15 =	vadd.s32 s18, v2;
	v17 =	vld.idx.msk [tilespmem:v17+s4+$0x0], $0xffff  }
0x6a: {  	s20 =	simm.s32 $0x100;
	[tilespmem:s12+$0x40] =	vst v18;
	v18 =	vld [tilespmem:s21+$0x70]  }
0x6b: {  	s7 =	sand.u32 $0x300, s20;
	v21 =	vadd.s32 s2, v3;
	v20 =	vld.idx.msk [tilespmem:v22+s4+$0x0], $0xffff;
	v14 =	vadd.f32 v23, v14  }
0x6c: {  	s11 =	sadd.s32 s7, s6;
	v22 =	vld [tilespmem:s21+$0xFFFFFF8C]  }
0x6d: {  	[tilespmem:s11+$0x0] =	vst v14;
	v14 =	vadd.f32 v19, v16;
	v16 =	vadd.s32 s0, v9  }
0x6e: {  	v15 =	vld.idx.msk [tilespmem:v15+s4+$0x0], $0xffff;
	[dreg:$0xf] =	wrdreg s8  }
0x6f: {  	s22 =	sand.u32 $0x1F, s8;
	v19 =	vadd.s32 s10, v7;
	v23 =	vld [tilespmem:s1+$0xFFFFFF4C];
	[tilespmem:s14+$0x10] =	vst v14;
	v14 =	vadd.f32 v18, v17  }
0x70: {  	s6 =	sshll.u32 s22, $0x2;
	v17 =	vld.idx.msk [tilespmem:v21+s4+$0x0], $0xffff  }
0x71: {  	s24 =	sand.u32 $0x3FFFFF80, s23;
	s8 =	sadd.s32 $0x10084, s6;
	v18 =	vadd.f32 v22, v20;
	v20 =	vld [tilespmem:s1+$0x20];
	[tilespmem:s5+$0x70] =	vst v14  }
0x72: {  	s6 =	sadd.s32 s24, s8;
	v14 =	vadd.s32 s18, v3;
	v16 =	vld.idx.msk [tilespmem:v16+s4+$0x0], $0xffff  }
0x73: {  	[tilespmem:s12+$0x50] =	vst v18;
	v18 =	vld [tilespmem:s6+$0x0]  }
0x74: {  	v21 =	vadd.s32 s2, v4;
	v19 =	vld.idx.msk [tilespmem:v19+s4+$0x0], $0xffff;
	v15 =	vadd.f32 v23, v15  }
0x75: {  	v22 =	vld [tilespmem:s21+$0xFFFFFF9C]  }
0x76: {  	[tilespmem:s11+$0x10] =	vst v15;
	v15 =	vadd.f32 v20, v17;
	v17 =	vadd.s32 s0, v10  }
0x77: {  	v14 =	vld.idx.msk [tilespmem:v14+s4+$0x0], $0xffff  }
0x78: {  	v20 =	vadd.s32 s10, v8;
	v23 =	vld [tilespmem:s1+$0xFFFFFF5C];
	[tilespmem:s14+$0x20] =	vst v15;
	v15 =	vadd.f32 v18, v16  }
0x79: {  	v16 =	vld.idx.msk [tilespmem:v21+s4+$0x0], $0xffff  }
0x7a: {  	v18 =	vadd.f32 v22, v19;
	v19 =	vld [tilespmem:s1+$0x30];
	[tilespmem:s5+$0x400] =	vst v15  }
0x7b: {  	v15 =	vadd.s32 s18, v4;
	v17 =	vld.idx.msk [tilespmem:v17+s4+$0x0], $0xffff  }
0x7c: {  	[tilespmem:s12+$0x60] =	vst v18;
	v18 =	vld [tilespmem:s21+$0x90]  }
0x7d: {  	v21 =	vadd.s32 s2, v5;
	v20 =	vld.idx.msk [tilespmem:v20+s4+$0x0], $0xffff;
	v14 =	vadd.f32 v23, v14  }
0x7e: {  	v22 =	vld [tilespmem:s21+$0xFFFFFFAC]  }
0x7f: {  	[tilespmem:s11+$0x20] =	vst v14;
	v14 =	vadd.f32 v19, v16  }
0x80: {  	v16 =	vadd.s32 s0, v11;
	v15 =	vld.idx.msk [tilespmem:v15+s4+$0x0], $0xffff  }
0x81: {  	v23 =	vld [tilespmem:s1+$0xFFFFFF6C];
	[tilespmem:s14+$0x30] =	vst v14  }
0x82: {  	v19 =	vadd.s32 s10, v9;
	v14 =	vadd.f32 v18, v17;
	v17 =	vld.idx.msk [tilespmem:v21+s4+$0x0], $0xffff;
	[dreg:$0x10] =	wrdreg s9  }
0x83: {  	v18 =	vadd.f32 v22, v20;
	v20 =	vld [tilespmem:s1+$0x40]  }
0x84: {  	s26 =	sand.u32 $0xF, s9;
	[tilespmem:s5+$0x410] =	vst v14  }
0x85: {  	s6 =	sshll.u32 s26, $0x3;
	v14 =	vadd.s32 s18, v5;
	v16 =	vld.idx.msk [tilespmem:v16+s4+$0x0], $0xffff  }
0x86: {  	s29 =	sand.u32 $0x3FFFFF80, s28;
	s22 =	sor.u32 $0x10080, s6;
	v21 =	vadd.s32 s2, v6;
	[tilespmem:s12+$0x70] =	vst v18;
	v18 =	vld [tilespmem:s21+$0xA0];
	v15 =	vadd.f32 v23, v15  }
0x87: {  	s6 =	sadd.s32 s29, s22;
	v19 =	vld.idx.msk [tilespmem:v19+s4+$0x0], $0xffff  }
0x88: {  	s9 =	sadd.s32 $0x188, s1;
	v22 =	vld [tilespmem:s6+$0x0];
	[tilespmem:s11+$0x30] =	vst v15;
	v15 =	vadd.f32 v20, v17  }
0x89: {  	v25 =	vld [tilespmem:s9+$0x0];
	v17 =	vadd.s32 s0, v12  }
0x8a: {  	v14 =	vld.idx.msk [tilespmem:v14+s4+$0x0], $0xffff;
	[tilespmem:s14+$0x40] =	vst v15  }
0x8b: {  	v20 =	vadd.s32 s10, v10;
	v15 =	vadd.f32 v18, v16;
	v16 =	vld.idx.msk [tilespmem:v21+s4+$0x0], $0xffff  }
0x8c: {  	s19 =	sadd.s32 $0x400, s30;
	v21 =	vld [tilespmem:s1+$0x50]  }
0x8d: {  	s13 =	sadd.s32 $0x100, s19;
	v23 =	vld [tilespmem:s1+$0xFFFFFF7C];
	v18 =	vadd.f32 v22, v19;
	v19 =	vadd.s32 s19, v1;
	[tilespmem:s5+$0x420] =	vst v15  }
0x8e: {  	v15 =	vadd.s32 s13, v1;
	v17 =	vld.idx.msk [tilespmem:v17+s4+$0x0], $0xffff  }
0x8f: {  	v22 =	vadd.s32 s2, v7;
	[tilespmem:s12+$0x400] =	vst v18;
	v18 =	vld [tilespmem:s21+$0xB0]  }
0x90: {  	v20 =	vld.idx.msk [tilespmem:v20+s4+$0x0], $0xffff  }
0x91: {  	v24 =	vld [tilespmem:s21+$0xFFFFFFCC];
	v16 =	vadd.f32 v21, v16  }
0x92: {  	v19 =	vld.idx.msk [tilespmem:v19+s4+$0x0], $0xffff;
	v21 =	vadd.s32 s0, v13  }
0x93: {  	v14 =	vadd.f32 v23, v14;
	v15 =	vld.idx.msk [tilespmem:v15+s4+$0x0], $0xffff;
	[tilespmem:s14+$0x50] =	vst v16  }
0x94: {  	v16 =	vadd.f32 v18, v17;
	v17 =	vadd.s32 s18, v6;
	v18 =	vld.idx.msk [tilespmem:v22+s4+$0x0], $0xffff  }
0x95: {  	[tilespmem:s11+$0x40] =	vst v14;
	v22 =	vld [tilespmem:s1+$0x60]  }
0x96: {  	s6 =	simm.s32 $0x400;
	v14 =	vld [tilespmem:s9+$0xFFFFFF3C];
	[tilespmem:s5+$0x430] =	vst v16;
	v16 =	vadd.s32 s13, v2  }
0x97: {  	s7 =	simm.s32 $0x280;
	s0 =	sand.u32 $0x800, s6;
	v27 =	vld.idx.msk [tilespmem:v21+s4+$0x0], $0xffff  }
0x98: {  	s0 =	sadd.s32 s0, s3;
	s5 =	sand.u32 $0x380, s7;
	v28 =	vld [tilespmem:s21+$0xC0];
	v21 =	vadd.s32 s2, v8;
	v15 =	vadd.f32 v25, v15  }
0x99: {  	s7 =	sadd.s32 s5, s0;
	v17 =	vld.idx.msk [tilespmem:v17+s4+$0x0], $0xffff  }
0x9a: {  	v23 =	vadd.s32 s10, v11;
	[tilespmem:s7+$0x0] =	vst v15;
	v15 =	vld [tilespmem:s1+$0xFFFFFF8C];
	v18 =	vadd.f32 v22, v18  }
0x9b: {  	v22 =	vadd.s32 s19, v2;
	v16 =	vld.idx.msk [tilespmem:v16+s4+$0x0], $0xffff  }
0x9c: {  	s20 =	simm.s32 $0x200;
	v20 =	vadd.f32 v24, v20;
	v24 =	vld [tilespmem:s9+$0x10];
	[tilespmem:s14+$0x60] =	vst v18  }
0x9d: {  	s17 =	sand.u32 $0x300, s20;
	v14 =	vadd.f32 v14, v19;
	v18 =	vadd.s32 s18, v7;
	v19 =	vld.idx.msk [tilespmem:v21+s4+$0x0], $0xffff  }
0x9e: {  	s17 =	sadd.s32 s17, s0;
	[tilespmem:s12+$0x410] =	vst v20;
	v20 =	vld [tilespmem:s1+$0x70]  }
0x9f: {  	[tilespmem:s17+$0x0] =	vst v14;
	v14 =	vadd.s32 s13, v3;
	v15 =	vadd.f32 v15, v17;
	v17 =	vld.idx.msk [tilespmem:v23+s4+$0x0], $0xffff  }
0xa0: {  	v21 =	vld.idx.msk [tilespmem:v22+s4+$0x0], $0xffff  }
0xa1: {  	v22 =	vld [tilespmem:s9+$0xFFFFFF4C];
	v16 =	vadd.f32 v24, v16;
	[tilespmem:s11+$0x50] =	vst v15  }
0xa2: {  	v15 =	vadd.s32 s2, v9;
	v18 =	vld.idx.msk [tilespmem:v18+s4+$0x0], $0xffff  }
0xa3: {  	s6 =	sadd.s32 $0x188, s23;
	[tilespmem:s7+$0x10] =	vst v16;
	v16 =	vld [tilespmem:s1+$0xFFFFFF9C];
	v19 =	vadd.f32 v20, v19  }
0xa4: {  	s24 =	sand.u32 $0x3FFFFF80, s6;
	s5 =	sadd.s32 $0x8, s8;
	v20 =	vadd.s32 s19, v3;
	v14 =	vld.idx.msk [tilespmem:v14+s4+$0x0], $0xffff  }
0xa5: {  	s0 =	sadd.s32 s24, s5;
	v23 =	vld [tilespmem:s9+$0x20];
	[tilespmem:s14+$0x70] =	vst v19  }
0xa6: {  	v19 =	vadd.s32 s18, v8;
	v21 =	vadd.f32 v22, v21;
	v22 =	vld [tilespmem:s0+$0x0]  }
0xa7: {  	v15 =	vld.idx.msk [tilespmem:v15+s4+$0x0], $0xffff  }
0xa8: {  	[tilespmem:s17+$0x10] =	vst v21;
	v21 =	vadd.s32 s13, v4;
	v16 =	vadd.f32 v16, v18;
	v18 =	vld [tilespmem:s21+$0xFFFFFFDC]  }
0xa9: {  	v20 =	vld.idx.msk [tilespmem:v20+s4+$0x0], $0xffff  }
0xaa: {  	v24 =	vld [tilespmem:s9+$0xFFFFFF5C];
	v14 =	vadd.f32 v23, v14;
	[tilespmem:s11+$0x60] =	vst v16;
	v16 =	vadd.s32 s2, v10  }
0xab: {  	v19 =	vld.idx.msk [tilespmem:v19+s4+$0x0], $0xffff  }
0xac: {  	v23 =	vadd.s32 s10, v12;
	[tilespmem:s7+$0x20] =	vst v14;
	v14 =	vld [tilespmem:s1+$0xFFFFFFAC];
	v15 =	vadd.f32 v22, v15  }
0xad: {  	v21 =	vld.idx.msk [tilespmem:v21+s4+$0x0], $0xffff  }
0xae: {  	v17 =	vadd.f32 v18, v17;
	v18 =	vld [tilespmem:s9+$0x30];
	[tilespmem:s14+$0x400] =	vst v15  }
0xaf: {  	v22 =	vadd.s32 s19, v4;
	v20 =	vadd.f32 v24, v20;
	v16 =	vld.idx.msk [tilespmem:v16+s4+$0x0], $0xffff  }
0xb0: {  	v15 =	vadd.s32 s18, v9;
	[tilespmem:s12+$0x420] =	vst v17;
	v17 =	vld [tilespmem:s1+$0x90]  }
0xb1: {  	[tilespmem:s17+$0x20] =	vst v20;
	v31 =	vld.idx.msk [tilespmem:v23+s4+$0x0], $0xffff  }
0xb2: {  	v24 =	vadd.s32 s13, v5;
	v19 =	vadd.f32 v14, v19;
	v23 =	vld [tilespmem:s9+$0xFFFFFF6C]  }
0xb3: {  	v62 =	vmov s25;
	s8 =	sadd.s32 $0x188, s28;
	v41 =	vld [tilespmem:s21+$0xFFFFFFEC]  }
0xb4: {  	s26 =	simm.s32 $0x1;
	s24 =	sand.u32 $0x3FFFFF80, s8;
	v14 =	vor.u32 s15, v0;
	s15 =	sadd.s32 $0x8, s22;
	v22 =	vld.idx.msk [tilespmem:v22+s4+$0x0], $0xffff;
	v18 =	vadd.f32 v18, v21;
	[tilespmem:s11+$0x70] =	vst v19;
	v19 =	vadd.s32 s2, v11  }
0xb5: {  	v63 =	vshll.u32 v62, $0x7;
	s29 =	sadd.s32 s24, s15;
	v21 =	vmov s26;
	v30 =	vld.idx.msk [tilespmem:v15+s4+$0x0], $0xffff  }
0xb6: {  	v15 =	vshll.u32 v21, $0x8;
	v21 =	vshll.u32 v21, $0x7;
	v32 =	vld [tilespmem:s29+$0x0];
	[tilespmem:s7+$0x30] =	vst v18;
	v16 =	vadd.f32 v17, v16  }
0xb7: {  	v17 =	vadd.s32 s19, v5;
	v15 =	vand.u32 $0x800, v15;
	v25 =	vand.u32 $0x380, v21;
	v33 =	vld.idx.msk [tilespmem:v24+s4+$0x0], $0xffff  }
0xb8: {  	v29 =	vadd.s32 s18, v10;
	v26 =	vadd.s32 s19, v6;
	v24 =	vor.u32 v25, v15;
	v34 =	vld [tilespmem:s9+$0x40];
	[tilespmem:s14+$0x410] =	vst v16  }
0xb9: {  	v40 =	vadd.s32 s13, v6;
	v37 =	vor.u32 v14, v24;
	v16 =	vadd.f32 v23, v22;
	v38 =	vld.idx.msk [tilespmem:v19+s4+$0x0], $0xffff  }
0xba: {  	v27 =	vadd.f32 v28, v27;
	v20 =	vadd.s32 s10, v13;
	v21 =	vadd.s32 s18, v11;
	v39 =	vld [tilespmem:s1+$0xA0]  }
0xbb: {  	v18 =	vadd.s32 s18, v12;
	v15 =	vadd.s32 s18, v13;
	[tilespmem:s17+$0x30] =	vst v16;
	v16 =	vadd.f32 v32, v30  }
0xbc: {  	v25 =	vadd.s32 s19, v7;
	v31 =	vadd.f32 v41, v31;
	v24 =	vadd.s32 s19, v8;
	v35 =	vld.idx.msk [tilespmem:v17+s4+$0x0], $0xffff  }
0xbd: {  	v23 =	vadd.s32 s19, v9;
	v32 =	vadd.s32 s2, v12;
	v36 =	vld [tilespmem:s9+$0xFFFFFF7C];
	v30 =	vadd.f32 v34, v33;
	[tilespmem:s11+$0x400] =	vst v16  }
0xbe: {  	s25 =	sadd.s32 $0x600, s30;
	v22 =	vadd.s32 s19, v10;
	v19 =	vadd.s32 s19, v11;
	[tilespmem:v37+s16+$0x0] =	vst.idx.msk $0xf, v27;
	v28 =	vld.idx.msk [tilespmem:v29+s4+$0x0], $0xffff;
	v27 =	vshll.u32 v62, $0x8  }
0xbf: {  	s0 =	simm.s32 $0x600;
	s10 =	simm.s32 $0x4;
	s22 =	simm.s32 $0x8;
	v33 =	vand.u32 $0x300, v63;
	v29 =	vld [tilespmem:s1+$0xFFFFFFCC];
	[tilespmem:s7+$0x40] =	vst v30;
	v27 =	vand.u32 $0x800, v27;
	v30 =	vadd.f32 v39, v38  }
0xc0: {  	s26 =	smov.u32 s21;
	s18 =	simm.s32 $0x6;
	v17 =	vadd.s32 s19, v12;
	v16 =	vadd.s32 s19, v13;
	s19 =	simm.s32 $0x2;
	v37 =	vld.idx.msk [tilespmem:v40+s4+$0x0], $0xffff;
	v27 =	vor.u32 v33, v27  }
.LBB2_4:
0xc1: {  	p0 =	slt.u32 s22, $0xE;
	v38 =	vadd.s32 s25, v1;
	v39 =	vadd.s32 s25, v2;
	v34 =	vadd.s32 s25, v3;
	s24 =	sadd.s32 $0x100, s25;
	v40 =	vld [tilespmem:s9+$0x50];
	[tilespmem:s14+$0x420] =	vst v30  }
0xc2: {  	v33 =	vadd.s32 s25, v4;
	v30 =	vadd.s32 s25, v5;
	v41 =	vadd.s32 s24, v1;
	v42 =	vld.idx.msk [tilespmem:v32+s4+$0x0], $0xffff;
	[tilespmem:s12+$0x430] =	vst v31;
	s12 =	smov.u32 s11;
	s11 =	smov.u32 s17  }
0xc3: {  	v43 =	vadd.s32 s25, v6;
	v44 =	vadd.s32 s25, v7;
	v36 =	vadd.f32 v36, v35;
	v45 =	vld [tilespmem:s1+$0xB0]  }
0xc4: {  	v46 =	vadd.s32 s13, v7;
	v35 =	vadd.s32 s25, v8;
	v32 =	vadd.s32 s25, v9;
	v47 =	vld.idx.msk [tilespmem:v20+s4+$0x0], $0xffff;
	v20 =	vmovc v15;
	v15 =	vmovc v16  }
0xc5: {  	v48 =	vadd.s32 s25, v11;
	v31 =	vadd.s32 s25, v10;
	v29 =	vadd.f32 v29, v28;
	[tilespmem:s11+$0x40] =	vst v36;
	v36 =	vld [tilespmem:s26+$0xFFFFFFFC];
	s26 =	smov.u32 s1;
	s1 =	smov.u32 s9  }
0xc6: {  	v28 =	vadd.s32 s25, v12;
	v38 =	vld.idx.msk [tilespmem:v38+s4+$0x0], $0xffff;
	v37 =	vadd.f32 v40, v37;
	v40 =	vadd.s32 s2, v13;
	s2 =	smov.u32 s13;
	s13 =	smov.u32 s24  }
0xc7: {  	v27 =	vor.u32 v14, v27;
	v16 =	vadd.s32 s25, v13;
	s9 =	sadd.s32 $0x188, s9;
	v41 =	vld.idx.msk [tilespmem:v41+s4+$0x0], $0xffff;
	[tilespmem:s12+$0x410] =	vst v29  }
0xc8: {  	v29 =	vld [tilespmem:s9+$0x0];
	[tilespmem:s7+$0x50] =	vst v37;
	v37 =	vadd.f32 v45, v42  }
0xc9: {  	s17 =	sadd.s32 $0x1, s19;
	v42 =	vld.idx.msk [tilespmem:v46+s4+$0x0], $0xffff  }
0xca: {  	v45 =	vld [tilespmem:s1+$0x60];
	[tilespmem:s14+$0x430] =	vst v37;
	v37 =	vmov s17;
	v36 =	vadd.f32 v36, v47;
	s14 =	smov.u32 s7  }
0xcb: {  	s20 =	sadd.s32 $0x100, s20;
	v46 =	vadd.s32 s13, v2;
	v40 =	vld.idx.msk [tilespmem:v40+s4+$0x0], $0xffff;
	v47 =	vshll.u32 v37, $0x8;
	v37 =	vshll.u32 v37, $0x7  }
0xcc: {  	s24 =	sadd.s32 $0x80, s20;
	s7 =	sand.u32 $0x800, s0;
	s17 =	sand.u32 $0x300, s20;
	v49 =	vld [tilespmem:s26+$0xC0];
	v47 =	vand.u32 $0x800, v47;
	v37 =	vand.u32 $0x380, v37;
	[tilespmem:v27+s16+$0x0] =	vst.idx.msk $0xf, v36  }
0xcd: {  	s24 =	sand.u32 $0x380, s24;
	s7 =	sadd.s32 s7, s3;
	v36 =	vadd.s32 s2, v8;
	v27 =	vld [tilespmem:s9+$0xFFFFFF3C];
	v29 =	vadd.f32 v29, v41;
	v37 =	vor.u32 v37, v47  }
0xce: {  	s17 =	sadd.s32 s17, s7;
	s7 =	sadd.s32 s24, s7;
	v41 =	vld.idx.msk [tilespmem:v26+s4+$0x0], $0xffff;
	v37 =	vor.u32 v14, v37;
	v26 =	vmov v43  }
0xcf: {  	[tilespmem:s7+$0x0] =	vst v29;
	v29 =	vld [tilespmem:s1+$0xFFFFFF8C];
	v42 =	vadd.f32 v45, v42  }
0xd0: {  	v43 =	vld.idx.msk [tilespmem:v46+s4+$0x0], $0xffff  }
0xd1: {  	v45 =	vld [tilespmem:s9+$0x10];
	[tilespmem:s14+$0x60] =	vst v42;
	v40 =	vadd.f32 v49, v40  }
0xd2: {  	v27 =	vadd.f32 v27, v38;
	v36 =	vld.idx.msk [tilespmem:v36+s4+$0x0], $0xffff  }
0xd3: {  	v38 =	vld [tilespmem:s1+$0x70];
	[tilespmem:v37+s16+$0x0] =	vst.idx.msk $0xf, v40  }
0xd4: {  	[tilespmem:s17+$0x0] =	vst v27;
	v27 =	vadd.s32 s13, v3;
	v29 =	vadd.f32 v29, v41;
	v37 =	vld.idx.msk [tilespmem:v21+s4+$0x0], $0xffff;
	v21 =	vmovc v19;
	v19 =	vmov v48  }
0xd5: {  	v39 =	vld.idx.msk [tilespmem:v39+s4+$0x0], $0xffff  }
0xd6: {  	v40 =	vld [tilespmem:s9+$0xFFFFFF4C];
	v41 =	vadd.f32 v45, v43;
	[tilespmem:s11+$0x50] =	vst v29;
	v29 =	vadd.s32 s2, v9  }
0xd7: {  	v42 =	vld.idx.msk [tilespmem:v25+s4+$0x0], $0xffff;
	v25 =	vmov v44  }
0xd8: {  	[tilespmem:s7+$0x10] =	vst v41;
	v41 =	vld [tilespmem:s1+$0xFFFFFF9C];
	v36 =	vadd.f32 v38, v36  }
0xd9: {  	s6 =	sadd.s32 $0x188, s6;
	v27 =	vld.idx.msk [tilespmem:v27+s4+$0x0], $0xffff  }
0xda: {  	s5 =	sadd.s32 $0x8, s5;
	s24 =	sand.u32 $0x3FFFFF80, s6;
	v38 =	vld [tilespmem:s9+$0x20];
	[tilespmem:s14+$0x70] =	vst v36  }
0xdb: {  	s24 =	sadd.s32 s24, s5;
	v36 =	vadd.f32 v40, v39;
	v29 =	vld.idx.msk [tilespmem:v29+s4+$0x0], $0xffff  }
0xdc: {  	v39 =	vld [tilespmem:s24+$0x0]  }
0xdd: {  	[tilespmem:s17+$0x10] =	vst v36;
	v36 =	vadd.s32 s13, v4;
	v40 =	vadd.f32 v41, v42;
	v41 =	vld [tilespmem:s26+$0xFFFFFFDC]  }
0xde: {  	v34 =	vld.idx.msk [tilespmem:v34+s4+$0x0], $0xffff  }
0xdf: {  	v42 =	vld [tilespmem:s9+$0xFFFFFF5C];
	v27 =	vadd.f32 v38, v27;
	[tilespmem:s11+$0x60] =	vst v40;
	v38 =	vadd.s32 s2, v10  }
0xe0: {  	v40 =	vld.idx.msk [tilespmem:v24+s4+$0x0], $0xffff;
	v24 =	vmov v35  }
0xe1: {  	[tilespmem:s7+$0x20] =	vst v27;
	v27 =	vld [tilespmem:s1+$0xFFFFFFAC];
	v29 =	vadd.f32 v39, v29  }
0xe2: {  	v35 =	vld.idx.msk [tilespmem:v36+s4+$0x0], $0xffff;
	v36 =	vadd.f32 v41, v37  }
0xe3: {  	v37 =	vld [tilespmem:s9+$0x30];
	[tilespmem:s14+$0x400] =	vst v29  }
0xe4: {  	v29 =	vadd.f32 v42, v34;
	v34 =	vld.idx.msk [tilespmem:v38+s4+$0x0], $0xffff;
	[tilespmem:s12+$0x420] =	vst v36  }
0xe5: {  	v36 =	vld [tilespmem:s1+$0x90]  }
0xe6: {  	[tilespmem:s17+$0x20] =	vst v29;
	v29 =	vadd.s32 s13, v5;
	v27 =	vadd.f32 v27, v40;
	v38 =	vld.idx.msk [tilespmem:v18+s4+$0x0], $0xffff;
	v18 =	vmovc v17;
	v17 =	vmov v28  }
0xe7: {  	s8 =	sadd.s32 $0x188, s8;
	v28 =	vld.idx.msk [tilespmem:v33+s4+$0x0], $0xffff  }
0xe8: {  	s15 =	sadd.s32 $0x8, s15;
	s24 =	sand.u32 $0x3FFFFF80, s8;
	v33 =	vld [tilespmem:s9+$0xFFFFFF6C];
	v35 =	vadd.f32 v37, v35;
	[tilespmem:s11+$0x70] =	vst v27;
	v27 =	vadd.s32 s2, v11  }
0xe9: {  	s24 =	sadd.s32 s24, s15;
	v37 =	vld.idx.msk [tilespmem:v23+s4+$0x0], $0xffff;
	v23 =	vmov v32  }
0xea: {  	[tilespmem:s7+$0x30] =	vst v35;
	v32 =	vld [tilespmem:s24+$0x0];
	v34 =	vadd.f32 v36, v34  }
0xeb: {  	v29 =	vld.idx.msk [tilespmem:v29+s4+$0x0], $0xffff  }
0xec: {  	v39 =	vld [tilespmem:s9+$0x40];
	[tilespmem:s14+$0x410] =	vst v34  }
0xed: {  	v28 =	vadd.f32 v33, v28;
	v27 =	vld.idx.msk [tilespmem:v27+s4+$0x0], $0xffff  }
0xee: {  	v33 =	vld [tilespmem:s1+$0xA0]  }
0xef: {  	v34 =	vadd.s32 s13, v6;
	[tilespmem:s17+$0x30] =	vst v28;
	v28 =	vadd.f32 v32, v37;
	v40 =	vld [tilespmem:s26+$0xFFFFFFEC]  }
.Ltmp0:
0xf0: {  	v35 =	vld.idx.msk [tilespmem:v30+s4+$0x0], $0xffff;
	(pc) =	sbr.rel @p0 .LBB2_4-.Ltmp0, $4  }
0xf1: {  	v32 =	vadd.s32 s2, v12;
	v30 =	vmov s19;
	s19 =	smov.u32 s10;
	s10 =	smov.u32 s18;
	s18 =	smov.u32 s22;
	v36 =	vld [tilespmem:s9+$0xFFFFFF7C];
	v29 =	vadd.f32 v39, v29;
	[tilespmem:s11+$0x400] =	vst v28  }
0xf2: {  	v37 =	vshll.u32 v30, $0x8;
	v39 =	vshll.u32 v30, $0x7;
	v28 =	vld.idx.msk [tilespmem:v22+s4+$0x0], $0xffff;
	v22 =	vmov v31  }
0xf3: {  	s0 =	sadd.s32 $0x200, s0;
	[tilespmem:s7+$0x40] =	vst v29;
	v29 =	vld [tilespmem:s1+$0xFFFFFFCC];
	v30 =	vadd.f32 v33, v27;
	v27 =	vand.u32 $0x800, v37;
	v33 =	vand.u32 $0x300, v39  }
0xf4: {  	s25 =	sadd.s32 s0, s30;
	s22 =	sadd.s32 $0x2, s22;
	v37 =	vld.idx.msk [tilespmem:v34+s4+$0x0], $0xffff;
	v31 =	vadd.f32 v40, v38;
	v27 =	vor.u32 v33, v27  }
0xf5: {  	s24 =	sadd.s32 $0x100, s25;
	v34 =	vadd.s32 s25, v1  }
0xf6: {  	v33 =	vadd.s32 s24, v1  }
0xf7: {  	s22 =	sadd.s32 $0x188, s9  }
0xf8: {  	v38 =	vld [tilespmem:s22+$0x0]  }
0xf9: {  	v39 =	vld [tilespmem:s22+$0xFFFFFF3C]  }
0xfa: {  	v34 =	vld.idx.msk [tilespmem:v34+s4+$0x0], $0xffff  }
0xfb: {  	v33 =	vld.idx.msk [tilespmem:v33+s4+$0x0], $0xffff;
	_ =	sdelay $0x1  }
0xfc: {  	s29 =	sadd.s32 $0x100, s20;
	v41 =	vadd.s32 s25, v2  }
0xfd: {  	s0 =	sand.u32 $0x800, s0;
	s20 =	sadd.s32 $0x80, s29  }
0xfe: {  	s0 =	sadd.s32 s0, s3;
	s29 =	sand.u32 $0x300, s29;
	s20 =	sand.u32 $0x380, s20;
	v57 =	vadd.f32 v39, v34  }
0xff: {  	s20 =	sadd.s32 s20, s0;
	s0 =	sadd.s32 s29, s0;
	v33 =	vadd.f32 v38, v33  }
0x100: {  	v40 =	vadd.s32 s24, v2;
	[tilespmem:s0+$0x0] =	vst v57  }
0x101: {  	[tilespmem:s20+$0x0] =	vst v33;
	v33 =	vld.idx.msk [tilespmem:v41+s4+$0x0], $0xffff  }
0x102: {  	v60 =	vld [tilespmem:s22+$0xFFFFFF4C];
	_ =	sdelay $0x2  }
0x103: {  	v62 =	vadd.s32 s25, v3;
	v58 =	vld.idx.msk [tilespmem:v40+s4+$0x0], $0xffff  }
0x104: {  	v59 =	vld [tilespmem:s22+$0x10]  }
0x105: {  	v33 =	vadd.f32 v60, v33;
	_ =	sdelay $0x1  }
0x106: {  	v61 =	vadd.s32 s24, v3;
	[tilespmem:s0+$0x10] =	vst v33  }
0x107: {  	v33 =	vld.idx.msk [tilespmem:v62+s4+$0x0], $0xffff  }
0x108: {  	v34 =	vadd.f32 v59, v58;
	v44 =	vld [tilespmem:s22+$0xFFFFFF5C];
	_ =	sdelay $0x1  }
0x109: {  	[tilespmem:s20+$0x10] =	vst v34  }
0x10a: {  	v46 =	vadd.s32 s25, v4;
	v34 =	vld.idx.msk [tilespmem:v61+s4+$0x0], $0xffff  }
0x10b: {  	v63 =	vld [tilespmem:s22+$0x20]  }
0x10c: {  	v33 =	vadd.f32 v44, v33;
	_ =	sdelay $0x1  }
0x10d: {  	v45 =	vadd.s32 s24, v4;
	[tilespmem:s0+$0x20] =	vst v33  }
0x10e: {  	v33 =	vld.idx.msk [tilespmem:v46+s4+$0x0], $0xffff  }
0x10f: {  	v34 =	vadd.f32 v63, v34;
	v48 =	vld [tilespmem:s22+$0xFFFFFF6C];
	_ =	sdelay $0x1  }
0x110: {  	[tilespmem:s20+$0x20] =	vst v34  }
0x111: {  	v50 =	vadd.s32 s25, v5;
	v34 =	vld.idx.msk [tilespmem:v45+s4+$0x0], $0xffff  }
0x112: {  	v47 =	vld [tilespmem:s22+$0x30]  }
0x113: {  	v33 =	vadd.f32 v48, v33;
	_ =	sdelay $0x1  }
0x114: {  	v49 =	vadd.s32 s24, v5;
	[tilespmem:s0+$0x30] =	vst v33  }
0x115: {  	v33 =	vld.idx.msk [tilespmem:v50+s4+$0x0], $0xffff  }
0x116: {  	v34 =	vadd.f32 v47, v34;
	v52 =	vld [tilespmem:s22+$0xFFFFFF7C];
	_ =	sdelay $0x1  }
0x117: {  	v54 =	vld [tilespmem:s9+$0x50];
	[tilespmem:s20+$0x30] =	vst v34  }
0x118: {  	v55 =	vadd.s32 s25, v6;
	v35 =	vadd.f32 v36, v35;
	v34 =	vld.idx.msk [tilespmem:v49+s4+$0x0], $0xffff  }
0x119: {  	[tilespmem:s14+$0x420] =	vst v30;
	v51 =	vld [tilespmem:s22+$0x40]  }
0x11a: {  	v32 =	vld.idx.msk [tilespmem:v32+s4+$0x0], $0xffff;
	[tilespmem:s17+$0x40] =	vst v35;
	v33 =	vadd.f32 v52, v33  }
0x11b: {  	v56 =	vadd.s32 s13, v7;
	v26 =	vld.idx.msk [tilespmem:v26+s4+$0x0], $0xffff  }
0x11c: {  	v53 =	vadd.s32 s24, v6;
	v35 =	vld [tilespmem:s9+$0xFFFFFF8C];
	v58 =	vadd.f32 v54, v37;
	[tilespmem:s0+$0x40] =	vst v33  }
0x11d: {  	v59 =	vld.idx.msk [tilespmem:v55+s4+$0x0], $0xffff  }
0x11e: {  	[tilespmem:s7+$0x50] =	vst v58;
	v34 =	vadd.f32 v51, v34;
	v60 =	vld [tilespmem:s22+$0xFFFFFF8C]  }
0x11f: {  	v63 =	vld [tilespmem:s9+$0x60]  }
0x120: {  	[tilespmem:s20+$0x40] =	vst v34;
	v34 =	vld.idx.msk [tilespmem:v56+s4+$0x0], $0xffff  }
0x121: {  	v26 =	vadd.f32 v35, v26;
	v62 =	vadd.s32 s25, v7;
	v36 =	vld.idx.msk [tilespmem:v53+s4+$0x0], $0xffff  }
0x122: {  	[tilespmem:s12+$0x430] =	vst v31;
	v57 =	vld [tilespmem:s22+$0x50]  }
0x123: {  	v20 =	vld.idx.msk [tilespmem:v20+s4+$0x0], $0xffff;
	[tilespmem:s17+$0x50] =	vst v26;
	v45 =	vadd.s32 s13, v8;
	v44 =	vadd.f32 v60, v59  }
0x124: {  	v25 =	vld.idx.msk [tilespmem:v25+s4+$0x0], $0xffff  }
0x125: {  	v43 =	vld [tilespmem:s9+$0xFFFFFF9C];
	v61 =	vadd.s32 s24, v7;
	v47 =	vadd.f32 v63, v34;
	[tilespmem:s0+$0x50] =	vst v44  }
0x126: {  	v48 =	vld.idx.msk [tilespmem:v62+s4+$0x0], $0xffff  }
0x127: {  	v42 =	vadd.f32 v57, v36;
	[tilespmem:s7+$0x60] =	vst v47;
	v49 =	vld [tilespmem:s22+$0xFFFFFF9C]  }
0x128: {  	v51 =	vld.idx.msk [tilespmem:v45+s4+$0x0], $0xffff  }
0x129: {  	[tilespmem:s20+$0x50] =	vst v42;
	v53 =	vld [tilespmem:s9+$0x70]  }
0x12a: {  	v25 =	vadd.f32 v43, v25;
	v52 =	vadd.s32 s25, v8;
	v33 =	vld.idx.msk [tilespmem:v61+s4+$0x0], $0xffff  }
0x12b: {  	v46 =	vld [tilespmem:s22+$0x60]  }
0x12c: {  	[tilespmem:s17+$0x60] =	vst v25;
	v37 =	vld [tilespmem:s26+$0xFFFFFFFC];
	v57 =	vadd.s32 s13, v9;
	v56 =	vadd.f32 v49, v48  }
0x12d: {  	v24 =	vld.idx.msk [tilespmem:v24+s4+$0x0], $0xffff  }
0x12e: {  	v50 =	vadd.s32 s24, v8;
	v55 =	vld [tilespmem:s9+$0xFFFFFFAC];
	v59 =	vadd.f32 v53, v51;
	[tilespmem:s0+$0x60] =	vst v56  }
0x12f: {  	s6 =	sadd.s32 $0x188, s6;
	v60 =	vld.idx.msk [tilespmem:v52+s4+$0x0], $0xffff  }
0x130: {  	s5 =	sadd.s32 $0x8, s5;
	s26 =	sand.u32 $0x3FFFFF80, s6;
	v54 =	vadd.f32 v46, v33;
	[tilespmem:s7+$0x70] =	vst v59;
	v61 =	vld [tilespmem:s22+$0xFFFFFFAC]  }
0x131: {  	s12 =	sadd.s32 s26, s5;
	v25 =	vld.idx.msk [tilespmem:v57+s4+$0x0], $0xffff  }
0x132: {  	v28 =	vadd.f32 v29, v28;
	[tilespmem:s20+$0x60] =	vst v54;
	v62 =	vld [tilespmem:s12+$0x0]  }
0x133: {  	v26 =	vld.idx.msk [tilespmem:v50+s4+$0x0], $0xffff  }
0x134: {  	[tilespmem:s11+$0x410] =	vst v28;
	v58 =	vld [tilespmem:s22+$0x70]  }
0x135: {  	v21 =	vld.idx.msk [tilespmem:v21+s4+$0x0], $0xffff;
	v24 =	vadd.f32 v55, v24  }
0x136: {  	s8 =	sadd.s32 $0x188, s8;
	v63 =	vld [tilespmem:s1+$0xB0];
	v42 =	vadd.s32 s25, v9  }
0x137: {  	s15 =	sadd.s32 $0x8, s15;
	s29 =	sand.u32 $0x3FFFFF80, s8;
	s8 =	sadd.s32 $0x188, s8;
	[tilespmem:s17+$0x70] =	vst v24;
	v47 =	vld [tilespmem:s1+$0xFFFFFFDC];
	v38 =	vadd.f32 v61, v60  }
0x138: {  	v41 =	vadd.s32 s24, v9;
	s26 =	sand.u32 $0x3FFFFF80, s8;
	v23 =	vld.idx.msk [tilespmem:v23+s4+$0x0], $0xffff;
	s12 =	sadd.s32 s29, s15;
	s29 =	sadd.s32 $0x8, s15;
	v25 =	vadd.f32 v62, v25  }
0x139: {  	s6 =	sadd.s32 $0x188, s6;
	v39 =	vld [tilespmem:s12+$0x0];
	s12 =	sadd.s32 s26, s29;
	v26 =	vadd.f32 v58, v26;
	[tilespmem:s0+$0x70] =	vst v38  }
0x13a: {  	v40 =	vadd.s32 s13, v10;
	s6 =	sand.u32 $0x3FFFFF80, s6;
	s5 =	sadd.s32 $0x8, s5;
	[tilespmem:s7+$0x400] =	vst v25;
	v24 =	vld [tilespmem:s12+$0x0]  }
0x13b: {  	s5 =	sadd.s32 s6, s5;
	v32 =	vadd.f32 v63, v32;
	[tilespmem:s20+$0x70] =	vst v26;
	v25 =	vld.idx.msk [tilespmem:v42+s4+$0x0], $0xffff  }
0x13c: {  	v26 =	vld [tilespmem:s5+$0x0]  }
0x13d: {  	[tilespmem:s14+$0x430] =	vst v32;
	v45 =	vld.idx.msk [tilespmem:v41+s4+$0x0], $0xffff  }
0x13e: {  	v32 =	vld [tilespmem:s1+$0xC0];
	v49 =	vadd.s32 s25, v10;
	v23 =	vadd.f32 v39, v23  }
0x13f: {  	v43 =	vld.idx.msk [tilespmem:v40+s4+$0x0], $0xffff  }
0x140: {  	v48 =	vadd.s32 s24, v10;
	v44 =	vld [tilespmem:s9+$0x90];
	[tilespmem:s17+$0x400] =	vst v23;
	v24 =	vadd.f32 v24, v25  }
0x141: {  	v22 =	vld.idx.msk [tilespmem:v22+s4+$0x0], $0xffff  }
0x142: {  	v50 =	vld [tilespmem:s9+$0xFFFFFFCC];
	v26 =	vadd.f32 v26, v45;
	[tilespmem:s0+$0x400] =	vst v24  }
0x143: {  	v24 =	vld.idx.msk [tilespmem:v49+s4+$0x0], $0xffff  }
0x144: {  	v21 =	vadd.f32 v47, v21;
	v46 =	vadd.s32 s13, v11;
	[tilespmem:s20+$0x400] =	vst v26;
	v55 =	vld [tilespmem:s22+$0xFFFFFFCC]  }
0x145: {  	v23 =	vld.idx.msk [tilespmem:v48+s4+$0x0], $0xffff  }
0x146: {  	[tilespmem:s11+$0x420] =	vst v21;
	v29 =	vadd.f32 v44, v43;
	v53 =	vld [tilespmem:s22+$0x90]  }
0x147: {  	v18 =	vld.idx.msk [tilespmem:v18+s4+$0x0], $0xffff  }
0x148: {  	v59 =	vld [tilespmem:s1+$0xFFFFFFEC];
	v57 =	vadd.s32 s25, v11;
	v22 =	vadd.f32 v50, v22;
	[tilespmem:s7+$0x410] =	vst v29  }
0x149: {  	v51 =	vld.idx.msk [tilespmem:v46+s4+$0x0], $0xffff  }
0x14a: {  	v56 =	vadd.s32 s24, v11;
	v52 =	vld [tilespmem:s9+$0xA0];
	[tilespmem:s17+$0x410] =	vst v22;
	v60 =	vadd.f32 v55, v24  }
0x14b: {  	v19 =	vld.idx.msk [tilespmem:v19+s4+$0x0], $0xffff;
	v23 =	vadd.f32 v53, v23  }
0x14c: {  	v62 =	vadd.s32 s2, v13;
	v58 =	vld [tilespmem:s9+$0xFFFFFFDC];
	[tilespmem:s0+$0x410] =	vst v60  }
0x14d: {  	v54 =	vadd.s32 s13, v12;
	[tilespmem:s20+$0x410] =	vst v23;
	v23 =	vld.idx.msk [tilespmem:v57+s4+$0x0], $0xffff  }
0x14e: {  	v63 =	vld [tilespmem:s22+$0xFFFFFFDC]  }
0x14f: {  	v28 =	vadd.f32 v52, v51;
	v22 =	vld.idx.msk [tilespmem:v56+s4+$0x0], $0xffff  }
0x150: {  	v61 =	vld [tilespmem:s22+$0xA0]  }
0x151: {  	v44 =	vadd.s32 s25, v12;
	v26 =	vld.idx.msk [tilespmem:v62+s4+$0x0], $0xffff;
	v19 =	vadd.f32 v58, v19;
	[tilespmem:s7+$0x420] =	vst v28  }
0x152: {  	v30 =	vadd.s32 s25, v13;
	v27 =	vor.u32 v14, v27;
	v21 =	vld.idx.msk [tilespmem:v54+s4+$0x0], $0xffff  }
0x153: {  	v20 =	vadd.f32 v37, v20;
	s14 =	sadd.s32 $0x1, s19;
	v46 =	vadd.s32 s24, v12;
	v45 =	vld [tilespmem:s9+$0xB0];
	[tilespmem:s17+$0x420] =	vst v19;
	v55 =	vadd.f32 v63, v23  }
0x154: {  	v47 =	vmov s14;
	s15 =	sadd.s32 $0x1, s10;
	v18 =	vadd.f32 v59, v18;
	v40 =	vmov s18;
	v17 =	vld.idx.msk [tilespmem:v17+s4+$0x0], $0xffff  }
0x155: {  	v50 =	vmov s15;
	v48 =	vmov s19;
	v51 =	vld [tilespmem:s9+$0xFFFFFFEC];
	v22 =	vadd.f32 v61, v22;
	[tilespmem:s0+$0x420] =	vst v55  }
0x156: {  	v49 =	vadd.s32 s13, v13;
	v59 =	vshll.u32 v48, $0x8;
	v52 =	vmov s10;
	v29 =	vld.idx.msk [tilespmem:v44+s4+$0x0], $0xffff  }
0x157: {  	s19 =	sadd.s32 $0x1, s18;
	v41 =	vadd.f32 v32, v26;
	v53 =	vadd.s32 s24, v13;
	v60 =	vshll.u32 v48, $0x7;
	[tilespmem:s20+$0x420] =	vst v22;
	v63 =	vld [tilespmem:s22+$0xFFFFFFEC]  }
0x158: {  	v48 =	vshll.u32 v52, $0x7;
	v54 =	vmov s19;
	v57 =	vshll.u32 v47, $0x7;
	v19 =	vld.idx.msk [tilespmem:v46+s4+$0x0], $0xffff  }
0x159: {  	[tilespmem:s11+$0x430] =	vst v18;
	v62 =	vand.u32 $0x300, v60;
	v56 =	vshll.u32 v47, $0x8;
	v21 =	vadd.f32 v45, v21;
	v58 =	vld [tilespmem:s22+$0xB0]  }
0x15a: {  	v15 =	vld.idx.msk [tilespmem:v15+s4+$0x0], $0xffff;
	v28 =	vand.u32 $0x380, v57;
	v47 =	vshll.u32 v52, $0x8;
	v52 =	vshll.u32 v54, $0x8  }
0x15b: {  	v24 =	vld [tilespmem:s1+$0xFFFFFFFC];
	v23 =	vand.u32 $0x800, v56;
	v45 =	vshll.u32 v50, $0x7;
	v17 =	vadd.f32 v51, v17;
	[tilespmem:s7+$0x430] =	vst v21  }
0x15c: {  	v56 =	vshll.u32 v40, $0x7;
	v61 =	vor.u32 v28, v23;
	v32 =	vand.u32 $0x380, v45;
	v42 =	vld [tilespmem:s9+$0xC0]  }
0x15d: {  	v37 =	vor.u32 v14, v61;
	v55 =	vshll.u32 v40, $0x8;
	[tilespmem:s17+$0x430] =	vst v17;
	v18 =	vld.idx.msk [tilespmem:v49+s4+$0x0], $0xffff;
	v28 =	vadd.f32 v63, v29  }
0x15e: {  	v22 =	vand.u32 $0x800, v59;
	v44 =	vshll.u32 v50, $0x8;
	v43 =	vld [tilespmem:s9+$0xFFFFFFFC];
	v19 =	vadd.f32 v58, v19  }
0x15f: {  	v49 =	vand.u32 $0x800, v47;
	v50 =	vand.u32 $0x300, v48;
	v22 =	vor.u32 v62, v22;
	v16 =	vld.idx.msk [tilespmem:v16+s4+$0x0], $0xffff;
	[tilespmem:s0+$0x430] =	vst v28  }
0x160: {  	v59 =	vand.u32 $0x300, v56;
	v31 =	vand.u32 $0x800, v44;
	v22 =	vor.u32 v14, v22;
	[tilespmem:s20+$0x430] =	vst v19;
	v30 =	vld.idx.msk [tilespmem:v30+s4+$0x0], $0xffff  }
0x161: {  	v46 =	vor.u32 v32, v31;
	v31 =	vand.u32 $0x800, v52;
	v51 =	vld.idx.msk [tilespmem:v53+s4+$0x0], $0xffff;
	v53 =	vshll.u32 v54, $0x7  }
0x162: {  	v25 =	vor.u32 v14, v46;
	v19 =	vor.u32 v50, v49;
	v54 =	vld [tilespmem:s22+$0xC0];
	v28 =	vand.u32 $0x380, v53  }
0x163: {  	[tilespmem:v27+s16+$0x0] =	vst.idx.msk $0xf, v20;
	v58 =	vand.u32 $0x800, v55;
	v60 =	vld [tilespmem:s22+$0xFFFFFFFC];
	v19 =	vor.u32 v14, v19;
	v57 =	vor.u32 v28, v31  }
0x164: {  	v15 =	vadd.f32 v24, v15;
	v61 =	vor.u32 v59, v58;
	v20 =	vor.u32 v14, v57  }
0x165: {  	[tilespmem:v37+s16+$0x0] =	vst.idx.msk $0xf, v41;
	v62 =	vadd.f32 v42, v18;
	v14 =	vor.u32 v14, v61  }
0x166: {  	[tilespmem:v22+s16+$0x0] =	vst.idx.msk $0xf, v15;
	v15 =	vadd.f32 v43, v16  }
0x167: {  	[tilespmem:v25+s16+$0x0] =	vst.idx.msk $0xf, v62;
	v63 =	vadd.f32 v54, v51  }
0x168: {  	[tilespmem:v19+s16+$0x0] =	vst.idx.msk $0xf, v15;
	v15 =	vadd.f32 v60, v30  }
0x169: {  	[tilespmem:v20+s16+$0x0] =	vst.idx.msk $0xf, v63  }
0x16a: {  	s22 =	sshll.u32 s31, $0x9;
	s31 =	sadd.s32 $0x1, s31;
	[tilespmem:v14+s16+$0x0] =	vst.idx.msk $0xf, v15  }
0x16b: {  	p0 =	sne.s32 s31, $0x10;
	s24 =	rddreg [dreg:$0x11]  }
.Ltmp1:
0x16c: {  	s23 =	sadd.s32 $0xC40, s23;
	s25 =	rddreg [dreg:$0xe];
	(pc) =	sbr.rel @p0 .LBB2_3-.Ltmp1, $4  }
0x16d: {  	s30 =	sadd.s32 $0x1000, s30;
	s28 =	sadd.s32 $0xC40, s28;
	s26 =	rddreg [dreg:$0xf]  }
0x16e: {  	s21 =	sadd.s32 $0xC40, s21;
	s29 =	rddreg [dreg:$0x10];
	s1 =	sadd.s32 $0x1, s24  }
0x16f: {  	s0 =	sadd.s32 s22, s25;
	s8 =	sadd.s32 $0x10, s26;
	s9 =	sadd.s32 $0x8, s29  }
0x170: {  	[hbm4b:s0+s4] =	stream.linear.scatter [tilespmem:s3], [sflag:s1], $0x1000, $0x38;
	[tilespmem:$0x1E600] =	vst v63  }
0x171: {  	s7 =	rddreg [dreg:$0xc]  }
0x172: {  	s7 =	sadd.s32 $0x1, s7  }
0x173: {  	p0 =	sne.s32 s7, $0x80  }
.Ltmp2:
0x174: {  	_ = 	snop;
	(pc) =	sbr.rel @p0 .LBB2_2-.Ltmp2, $1  }
0x175: {  	_ =	sdelay $0x3  }
0x176: {  	s0 =	simm.s32 $0x1  }
0x177: {  	_ =	swait.ge [sflag:s0], $0x1000  }
0x178: {  	[sflag:s0] =	ssyncset.done $0x0  }
0x179: {  	s1 =	simm.s32 $0x2;
	[sflag:s0] =	ssyncadd.s32 $0xFFFFF000  }
0x17a: {  	_ =	swait.ge [sflag:s1], $0x1000  }
0x17b: {  	s2 =	rddreg [dreg:$0xb]  }
0x17c: {  	s31 =	rddreg [dreg:$0x9];
	s2 =	sadd.s32 $0x1, s2  }
0x17d: {  	p0 =	sne.s32 s2, s31  }
.Ltmp3:
0x17e: {  	_ = 	snop;
	(pc) =	sbr.rel @p0 .LBB2_1-.Ltmp3, $3  }
0x17f: {  	_ =	sdelay $0x1  }
0x180: {  	[sflag:s1] =	ssyncset.done $0x0  }
0x181: {  	[sflag:s1] =	ssyncadd.s32 $0xFFFFF000  }
0x182: {  	_ =	sfence.sel $0x180000  }
0x183: {  	[bflag:$0x0] =	sbarrier.arrive $0xFFFF  }
0x184: {  	_ =	strace $0x90000047  }
0x185: {  	s0 =	stileid.u32;
	[bflag:$0x2] =	sbarrier.arrive $0xFFFF  }
0x186: {  	p0 =	sne.s32 s0, $0x0;
	s0 =	rddreg [dreg:$0x4]  }
0x187: {  	s0 =	sadd.s32 @!p0 $0x100000, s0  }
0x188: {  	[sflag:s0] =	ssyncadd.tile.s32 @!p0 $0x1;
	_ =	shalt  }
.Lfunc_end2:
_tile_overlayer_lowered:
.L_overlay_start_2:
0x189: {  	(tag) =	ssettag $0x2  }
0x18a: {  	s0 =	rddreg [dreg:$0x0];
	s2 =	stileid.u32  }
0x18b: {  	s1 =	rddreg [dreg:$0x1];
	p0 =	sne.s32 s2, $0x0  }
0x18c: {  	s3 =	rddreg [dreg:$0x2];
	[bflag:$0x3] =	sbarrier.arrive $0xFFFF;
	s2 =	simm.s32 @!p0 $0x1C04  }
0x18d: {  	[timem:s3], [sflag:s2] =	dma.local @!p0 [hbm:s0], s1  }
0x18e: {  	s0 =	simm.s32 @!p0 $0x4  }
0x18f: {  	_ =	swait.ge @!p0 [sflag:s0], s1  }
0x190: {  	s1 =	ssub.s32 @!p0 $0x0, s1;
	[sflag:s0] =	ssyncset.done @!p0 $0x0  }
0x191: {  	[sflag:s0] =	ssyncadd.s32 @!p0 s1  }
0x192: {  	[bflag:$0x3] =	sbarrier.arrive $0xFFFF  }
0x193: {  	_ =	shalt  }

</sc_bundles>
